<compile_context>
chip_gen: v7x
topology: tpu7x:2x2x1
jax: 0.10.2.dev20260603
libtpu: 0.0.44.dev20260713+nightly
codegen_flags: <defaults>
</compile_context>

<pallas_src>
import functools

import jax
import jax.numpy as jnp
from jax import lax
from jax.experimental import pallas as pl
from jax.experimental.pallas import tpu as pltpu
from jax.experimental.pallas import tpu_sc as plsc

_EPS = 1e-8
_E_BLOCK = 1600
_CH = 128
_N_NODES = 10000
_NC, _NS = 2, 16


def _norm3(vx, vy, vz):
    return jnp.sqrt(jnp.maximum(vx * vx + vy * vy + vz * vz, _EPS))


def _dot(a, b):
    return jnp.dot(a, b, preferred_element_type=jnp.float32)


def _sc_gather(table, idx):
    rows = idx.shape[0]
    n_chunks = rows // _CH
    nw = _NC * _NS
    per, extra = divmod(n_chunks, nw)
    f32 = jnp.float32
    mesh = plsc.VectorSubcoreMesh(core_axis_name="c", subcore_axis_name="s")

    @functools.partial(
        pl.kernel,
        out_type=jax.ShapeDtypeStruct((rows, 128), f32),
        mesh=mesh,
        scratch_types=[
            pltpu.VMEM((_CH,), jnp.int32),
            pltpu.VMEM((_CH, 128), f32),
            pltpu.SemaphoreType.DMA,
        ],
    )
    def k(table_h, idx_h, out_h,
          idx_v, b0, s0):
        c = lax.axis_index("c")
        s = lax.axis_index("s")
        w = s * _NC + c
        start = per * w + jnp.minimum(w, extra)
        count = per + (w < extra).astype(jnp.int32)

        def body(i, carry):
            t = start + i
            r = pl.multiple_of(t * _CH, _CH)
            pltpu.sync_copy(idx_h.at[pl.ds(r, _CH)], idx_v)
            pltpu.async_copy(table_h.at[idx_v], b0, s0).wait()
            pltpu.sync_copy(b0, out_h.at[pl.ds(r, _CH)])
            return carry

        lax.fori_loop(0, count, body, 0)

    return k(table, idx)


def _sc_scatter(msgs, dst):
    E = dst.shape[0]
    n_chunks = E // _CH
    stripe = 632
    n_pad = stripe * _NS
    f32 = jnp.float32
    per, extra = divmod(n_chunks, _NS)
    mesh = plsc.VectorSubcoreMesh(core_axis_name="c", subcore_axis_name="s")

    @functools.partial(
        pl.kernel,
        out_type=jax.ShapeDtypeStruct((2 * n_pad, 128), f32),
        mesh=mesh,
        scratch_types=[
            pltpu.VMEM((_CH,), jnp.int32),
            pltpu.VMEM((_CH, 128), f32),
            pltpu.VMEM_SHARED((n_pad, 128), f32),
        ],
    )
    def k(msgs_h, dst_h, zeros_h, agg_h,
          idx_v, ba, acc):
        c = lax.axis_index("c")
        s = lax.axis_index("s")

        base = pl.multiple_of(s * stripe, 8)
        start = per * s + jnp.minimum(s, extra)
        count = per + (s < extra).astype(jnp.int32)
        row0 = c * E

        pltpu.sync_copy(zeros_h, acc.at[pl.ds(base, stripe)])
        plsc.subcore_barrier()

        def body(i, carry):
            t = start + i
            r = pl.multiple_of(t * _CH, _CH)
            pltpu.sync_copy(dst_h.at[pl.ds(r, _CH)], idx_v)
            pltpu.sync_copy(msgs_h.at[pl.ds(pl.multiple_of(row0 + r, _CH), _CH)], ba)
            pltpu.sync_copy(ba, acc.at[idx_v], add=True)
            return carry

        lax.fori_loop(0, count, body, 0)
        plsc.subcore_barrier()

        out_r = pl.multiple_of(c * n_pad + base, 8)
        pltpu.sync_copy(acc.at[pl.ds(base, stripe)],
                        agg_h.at[pl.ds(out_r, stripe)])

    agg = k(msgs.reshape(2 * E, 128), dst, jnp.zeros((stripe, 128), f32))
    return agg.reshape(2, n_pad, 128)[:, :_N_NODES, :]


def _unpack2(g):
    gw = jax.lax.bitcast_convert_type(g, jnp.uint32)
    lo = jax.lax.bitcast_convert_type(gw << 16, jnp.float32)
    hi = jax.lax.bitcast_convert_type(gw & jnp.uint32(0xFFFF0000), jnp.float32)
    return lo, hi


def _msg_kernel(
    gs_ref, gd_ref,
    eraw_ref,
    ee_whc_ref, ee_ws0_ref, ee_wsT_ref, ee_wsb_ref, ee_wvT_ref,
    m0_whT_ref, m0_wsT_ref, m0_wsb_ref, m0_wvT_ref,
    m1_whT_ref, m1_wsT_ref, m1_wsb_ref, m1_wvT_ref,
    m2_whT_ref, m2_wsT_ref, m2_wsb_ref, m2_wvT_ref,
    out_ref,
):
    e_s = eraw_ref[:, 0:1]
    whc = ee_whc_ref[0:1, :]
    vhx = eraw_ref[:, 1:2] * whc
    vhy = eraw_ref[:, 2:3] * whc
    vhz = eraw_ref[:, 3:4] * whc
    vn = _norm3(vhx, vhy, vhz)
    es = e_s * ee_ws0_ref[0:1, :] + _dot(vn, ee_wsT_ref[...]) + ee_wsb_ref[0:1, :]
    es = jnp.maximum(es, 0.0)
    evx = _dot(vhx, ee_wvT_ref[...])
    evy = _dot(vhy, ee_wvT_ref[...])
    evz = _dot(vhz, ee_wvT_ref[...])
    sg = jax.nn.sigmoid(_norm3(evx, evy, evz))
    evx, evy, evz = evx * sg, evy * sg, evz * sg

    lo_s, hi_s = _unpack2(gs_ref[...])
    lo_d, hi_d = _unpack2(gd_ref[...])
    s_src, vx_src = lo_s[:, 0:64], hi_s[:, 0:64]
    vy_src, vz_src = lo_s[:, 64:128], hi_s[:, 64:128]
    s_dst, vx_dst = lo_d[:, 0:64], hi_d[:, 0:64]
    vy_dst, vz_dst = lo_d[:, 64:128], hi_d[:, 64:128]
    whT = m0_whT_ref
    wA = whT[0:64, :]
    wB = whT[64:128, :]
    wC = whT[128:192, :]
    vhx = _dot(vx_src, wA) + _dot(evx, wB) + _dot(vx_dst, wC)
    vhy = _dot(vy_src, wA) + _dot(evy, wB) + _dot(vy_dst, wC)
    vhz = _dot(vz_src, wA) + _dot(evz, wB) + _dot(vz_dst, wC)
    vn = _norm3(vhx, vhy, vhz)
    wsT = m0_wsT_ref
    s = (_dot(s_src, wsT[0:64, :]) + _dot(es, wsT[64:128, :])
         + _dot(s_dst, wsT[128:192, :]) + _dot(vn, wsT[192:384, :])
         + m0_wsb_ref[0:1, :])
    vox = _dot(vhx, m0_wvT_ref[...])
    voy = _dot(vhy, m0_wvT_ref[...])
    voz = _dot(vhz, m0_wvT_ref[...])
    sg = jax.nn.sigmoid(_norm3(vox, voy, voz))
    vx, vy, vz = vox * sg, voy * sg, voz * sg
    s = jnp.maximum(s, 0.0)

    def gvp64(s, vx, vy, vz, whT, wsT, wsb, wvT, act):
        vhx = _dot(vx, whT[...])
        vhy = _dot(vy, whT[...])
        vhz = _dot(vz, whT[...])
        vn = _norm3(vhx, vhy, vhz)
        s_out = _dot(s, wsT[0:64, :]) + _dot(vn, wsT[64:128, :]) + wsb[0:1, :]
        vox = _dot(vhx, wvT[...])
        voy = _dot(vhy, wvT[...])
        voz = _dot(vhz, wvT[...])
        if act:
            sg = jax.nn.sigmoid(_norm3(vox, voy, voz))
            vox, voy, voz = vox * sg, voy * sg, voz * sg
            s_out = jnp.maximum(s_out, 0.0)
        return s_out, vox, voy, voz

    s, vx, vy, vz = gvp64(s, vx, vy, vz, m1_whT_ref, m1_wsT_ref, m1_wsb_ref, m1_wvT_ref, True)
    s, vx, vy, vz = gvp64(s, vx, vy, vz, m2_whT_ref, m2_wsT_ref, m2_wsb_ref, m2_wvT_ref, False)

    out_ref[0, :, 0:64] = s
    out_ref[0, :, 64:128] = vx
    out_ref[1, :, 0:64] = vy
    out_ref[1, :, 64:128] = vz


def _edge_messages(g, eraw, pe, p0, p1, p2):
    E = eraw.shape[0]
    B = _E_BLOCK
    nb = E // B
    grid = (nb,)
    f32 = jnp.float32

    def gspec(is_dst):
        return pl.BlockSpec(
            (B, 128),
            functools.partial(lambda o, i: (i + o, 0), nb if is_dst else 0))

    def wspec(shape):
        return pl.BlockSpec(shape, lambda i: tuple(0 for _ in shape))

    ee_whc = pe["wh"].T.reshape(1, 64)
    ee_ws0 = pe["ws"].T[0:1, :]
    ee_wsT = pe["ws"].T[1:, :]
    ee_wsb = pe["ws_b"].reshape(1, 64)
    ee_wvT = pe["wv"].T

    def prep(p):
        return (p["wh"].T, p["ws"].T, p["ws_b"].reshape(1, -1), p["wv"].T)

    m0, m1, m2 = prep(p0), prep(p1), prep(p2)

    in_arrays = [
        g, g,
        eraw,
        ee_whc, ee_ws0, ee_wsT, ee_wsb, ee_wvT,
        *m0, *m1, *m2,
    ]
    in_specs = [
        gspec(False), gspec(True),
        pl.BlockSpec((B, 4), lambda i: (i, 0)),
        wspec((1, 64)), wspec((1, 64)), wspec((64, 64)), wspec((1, 64)), wspec((64, 64)),
        wspec((192, 192)), wspec((384, 64)), wspec((1, 64)), wspec((192, 64)),
        wspec((64, 64)), wspec((128, 64)), wspec((1, 64)), wspec((64, 64)),
        wspec((64, 64)), wspec((128, 64)), wspec((1, 64)), wspec((64, 64)),
    ]
    return pl.pallas_call(
        _msg_kernel,
        grid=grid,
        in_specs=in_specs,
        out_specs=pl.BlockSpec((2, B, 128), lambda i: (0, i, 0)),
        out_shape=jax.ShapeDtypeStruct((2, E, 128), f32),
    )(*in_arrays)


def _pool_kernel(xs_ref, batch_ref, ps_ref, cb_ref):
    oh = (batch_ref[...] == jax.lax.broadcasted_iota(jnp.int32, (1, 32), 1)
          ).astype(jnp.float32)
    ps_ref[...] = jax.lax.dot_general(
        oh, xs_ref[...], (((0,), (0,)), ((), ())),
        preferred_element_type=jnp.float32)
    cb_ref[...] = jax.lax.dot_general(
        oh, jnp.ones_like(xs_ref[...][:, 0:8]), (((0,), (0,)), ((), ())),
        preferred_element_type=jnp.float32)


def _pool(xs, batch):
    n = xs.shape[0]
    ps, cb = pl.pallas_call(
        _pool_kernel,
        in_specs=[pl.BlockSpec((n, 64), lambda: (0, 0)),
                  pl.BlockSpec((n, 1), lambda: (0, 0))],
        out_specs=[pl.BlockSpec((32, 64), lambda: (0, 0)),
                   pl.BlockSpec((32, 8), lambda: (0, 0))],
        out_shape=[jax.ShapeDtypeStruct((32, 64), jnp.float32),
                   jax.ShapeDtypeStruct((32, 8), jnp.float32)],
    )(xs, batch.reshape(n, 1))
    return ps / jnp.maximum(cb[:, 0:1], 1.0)


def _gvp_t(p, s, vt, scalar_act, vector_act):
    vh = jnp.matmul(vt, p["wh"].T)
    vn = jnp.sqrt(jnp.maximum(jnp.sum(vh * vh, axis=-2), _EPS))
    s_out = jnp.matmul(jnp.concatenate([s, vn], axis=-1), p["ws"].T) + p["ws_b"]
    vt_out = jnp.matmul(vh, p["wv"].T)
    if vector_act:
        nrm = jnp.sqrt(jnp.maximum(jnp.sum(vt_out * vt_out, axis=-2, keepdims=True), _EPS))
        vt_out = vt_out * jax.nn.sigmoid(nrm)
    if scalar_act:
        s_out = jax.nn.relu(s_out)
    return s_out, vt_out


def _layernorm_s(g, b, s):
    mu = jnp.mean(s, axis=-1, keepdims=True)
    var = jnp.mean(jnp.square(s - mu), axis=-1, keepdims=True)
    return (s - mu) / jnp.sqrt(var + 1e-5) * g + b


def kernel(node_s, node_v, edge_index, edge_s, edge_v, batch, params):
    n = node_s.shape[0]
    num_graphs = 32
    if node_v.ndim == 2:
        node_v = node_v[:, None, :]
    if edge_v.ndim == 2:
        edge_v = edge_v[:, None, :]
    node_vt = jnp.swapaxes(node_v, -1, -2)
    ns, nvt = _gvp_t(params["node_enc"], node_s, node_vt, True, True)

    p = params["convs"][-1]
    E = edge_index.shape[1]

    def pack2(a, b):
        au = jax.lax.bitcast_convert_type(a.astype(jnp.bfloat16), jnp.uint16).astype(jnp.uint32)
        bu = jax.lax.bitcast_convert_type(b.astype(jnp.bfloat16), jnp.uint16).astype(jnp.uint32)
        return jax.lax.bitcast_convert_type(au | (bu << 16), jnp.float32)

    table = jnp.concatenate(
        [pack2(ns, nvt[:, 0, :]), pack2(nvt[:, 1, :], nvt[:, 2, :])], axis=1)
    eraw = jnp.concatenate([edge_s, edge_v[:, 0, :]], axis=-1)

    idx = edge_index.reshape(2 * E)
    g = _sc_gather(table, idx)

    msgs = _edge_messages(g, eraw, params["edge_enc"], p["msg0"], p["msg1"], p["msg2"])

    dst = edge_index[1]
    agg = _sc_scatter(msgs, dst)
    cnt = jnp.maximum(
        jax.ops.segment_sum(jnp.ones((E,), jnp.float32), dst, num_segments=n), 1.0)
    agg_s = agg[0, :, 0:64] / cnt[:, None]
    agg_v = jnp.stack([agg[0, :, 64:128], agg[1, :, 0:64], agg[1, :, 64:128]],
                      axis=1) / cnt[:, None, None]

    s1 = _layernorm_s(p["ln0_g"], p["ln0_b"], ns + agg_s)
    v1 = nvt + agg_v
    vn = jnp.maximum(jnp.sum(v1 * v1, axis=-2, keepdims=True), _EPS)
    vn = jnp.sqrt(jnp.mean(vn, axis=-1, keepdims=True))
    v1 = v1 / vn

    fs, fvt = _gvp_t(p["ff0"], s1, v1, True, True)
    fs, _ = _gvp_t(p["ff1"], fs, fvt, False, False)
    xs = _layernorm_s(p["ln1_g"], p["ln1_b"], s1 + fs)

    pooled = _pool(xs, batch)
    w0, b0 = params["mlp"][0]
    w1, b1 = params["mlp"][1]
    w2, b2 = params["mlp"][2]
    h = jax.nn.relu(jnp.matmul(pooled, w0.T) + b0)
    h = jax.nn.relu(jnp.matmul(h, w1.T) + b1)
    return jax.nn.sigmoid(jnp.matmul(h, w2.T) + b2)

# --- scband reference (transcript-rebuilt; emitter-appended) ---
"""Pipeline reference for scband-model-25907242729615 (READ-ONLY COPY).

The authoritative reference and input builder live on the scoring server;
editing this copy changes nothing except your own understanding.
"""

import jax, jax.numpy as jnp
import numpy as np

N_NODES = 10000
N_EDGES = 160000
NUM_GRAPHS = 32
HID = 64
HID1 = 64
CONV_LAYERS = 2


def _lin_w(rng, fin, fout):
    return jnp.asarray(rng.normal(0.0, 1.0 / np.sqrt(fin), (fout, fin)), dtype=jnp.float32)


def _lin_b(rng, fout):
    return jnp.asarray(rng.normal(0.0, 0.01, (fout,)), dtype=jnp.float32)


def _gvp_params(rng, si, vi, so, vo):
    h = max(vi, vo)
    return {"wh": _lin_w(rng, vi, h), "ws": _lin_w(rng, h + si, so), "ws_b": _lin_b(rng, so), "wv": _lin_w(rng, h, vo)}


def make_params():
    rng = np.random.default_rng(0)
    convs = []
    for _ in range(CONV_LAYERS):
        convs.append({
            "msg0": _gvp_params(rng, 3 * HID, 3 * HID, HID, HID),
            "msg1": _gvp_params(rng, HID, HID, HID, HID),
            "msg2": _gvp_params(rng, HID, HID, HID, HID),
            "ln0_g": jnp.ones((HID,), jnp.float32), "ln0_b": jnp.zeros((HID,), jnp.float32),
            "ff0": _gvp_params(rng, HID, HID, 4 * HID, 2 * HID),
            "ff1": _gvp_params(rng, 4 * HID, 2 * HID, HID, HID),
            "ln1_g": jnp.ones((HID,), jnp.float32), "ln1_b": jnp.zeros((HID,), jnp.float32),
        })
    return {
        "node_enc": _gvp_params(rng, 1, 1, HID, HID),
        "edge_enc": _gvp_params(rng, 1, 1, HID, HID),
        "convs": convs,
        "mlp": [
            (_lin_w(rng, HID, HID1), _lin_b(rng, HID1)),
            (_lin_w(rng, HID1, HID1), _lin_b(rng, HID1)),
            (_lin_w(rng, HID1, 1), _lin_b(rng, 1)),
        ],
    }


def _norm_no_nan(x, axis=-1, keepdims=False, eps=1e-8, sqrt=True):
    out = jnp.maximum(jnp.sum(jnp.square(x), axis=axis, keepdims=keepdims), eps)
    return jnp.sqrt(out) if sqrt else out


def _gvp(p, s, v, scalar_act, vector_act):
    vt = jnp.swapaxes(v, -1, -2)
    vh = jnp.matmul(vt, p["wh"].T)
    vn = _norm_no_nan(vh, axis=-2)
    s_out = jnp.matmul(jnp.concatenate([s, vn], axis=-1), p["ws"].T) + p["ws_b"]
    v_out = jnp.swapaxes(jnp.matmul(vh, p["wv"].T), -1, -2)
    if vector_act:
        v_out = v_out * jax.nn.sigmoid(_norm_no_nan(v_out, axis=-1, keepdims=True))
    if scalar_act:
        s_out = jax.nn.relu(s_out)
    return s_out, v_out


def _layernorm(g, b, s, v):
    mu = jnp.mean(s, axis=-1, keepdims=True)
    var = jnp.mean(jnp.square(s - mu), axis=-1, keepdims=True)
    s = (s - mu) / jnp.sqrt(var + 1e-5) * g + b
    vn = _norm_no_nan(v, axis=-1, keepdims=True, sqrt=False)
    vn = jnp.sqrt(jnp.mean(vn, axis=-2, keepdims=True))
    return s, v / vn


def _conv_layer(p, s, v, edge_index, e_s, e_v):
    n = s.shape[0]
    src, dst = edge_index[0], edge_index[1]
    ms = jnp.concatenate([s[src], e_s, s[dst]], axis=-1)
    mv = jnp.concatenate([v[src], e_v, v[dst]], axis=1)
    ms, mv = _gvp(p["msg0"], ms, mv, True, True)
    ms, mv = _gvp(p["msg1"], ms, mv, True, True)
    ms, mv = _gvp(p["msg2"], ms, mv, False, False)
    cnt = jnp.maximum(jax.ops.segment_sum(jnp.ones((dst.shape[0],), jnp.float32), dst, num_segments=n), 1.0)
    agg_s = jax.ops.segment_sum(ms, dst, num_segments=n) / cnt[:, None]
    agg_v = jax.ops.segment_sum(mv, dst, num_segments=n) / cnt[:, None, None]
    s1, v1 = _layernorm(p["ln0_g"], p["ln0_b"], s + agg_s, v + agg_v)
    fs, fv = _gvp(p["ff0"], s1, v1, True, True)
    fs, fv = _gvp(p["ff1"], fs, fv, False, False)
    return _layernorm(p["ln1_g"], p["ln1_b"], s1 + fs, v1 + fv)


def _model(params, node_s, node_v, edge_index, edge_s, edge_v, batch):
    if node_v.ndim == 2:
        node_v = node_v[:, None, :]
    if edge_v.ndim == 2:
        edge_v = edge_v[:, None, :]
    ns, nv = _gvp(params["node_enc"], node_s, node_v, True, True)
    es, ev = _gvp(params["edge_enc"], edge_s, edge_v, True, True)
    xs, xv = ns, nv
    for cp in params["convs"]:
        # note: faithful to the original forward, which feeds `nodes` (not x) into every conv
        xs, xv = _conv_layer(cp, ns, nv, edge_index, es, ev)
    cnt = jnp.maximum(jax.ops.segment_sum(jnp.ones((node_s.shape[0],), jnp.float32), batch, num_segments=NUM_GRAPHS), 1.0)
    pooled = jax.ops.segment_sum(xs, batch, num_segments=NUM_GRAPHS) / cnt[:, None]
    w0, b0 = params["mlp"][0]
    w1, b1 = params["mlp"][1]
    w2, b2 = params["mlp"][2]
    h = jax.nn.relu(jnp.matmul(pooled, w0.T) + b0)
    h = jax.nn.relu(jnp.matmul(h, w1.T) + b1)
    return jax.nn.sigmoid(jnp.matmul(h, w2.T) + b2)


def setup_inputs(seed: int = 0):
    key = jax.random.key(seed)
    k1, k2, k3, k4, k5, k6 = jax.random.split(key, 6)
    return {
        "node_s": jax.random.normal(k1, (N_NODES, 1), dtype=jnp.float32),
        "node_v": jax.random.normal(k2, (N_NODES, 1, 3), dtype=jnp.float32),
        "edge_index": jax.random.randint(k3, (2, N_EDGES), 0, N_NODES, dtype=jnp.int32),
        "edge_s": jax.random.normal(k4, (N_EDGES, 1), dtype=jnp.float32),
        "edge_v": jax.random.normal(k5, (N_EDGES, 1, 3), dtype=jnp.float32),
        "batch": jnp.sort(jax.random.randint(k6, (N_NODES,), 0, NUM_GRAPHS, dtype=jnp.int32)),
        "params": make_params(),
    }


def reference(node_s, node_v, edge_index, edge_s, edge_v, batch, params):
    return _model(params, node_s, node_v, edge_index, edge_s, edge_v, batch)

if __name__ == "__main__":
    import jax
    _d = setup_inputs()
    print(jax.jit(kernel)(*tuple(_d.values())))

</pallas_src>

<mosaic_0001>
#map = affine_map<(d0, d1) -> (0, 0)>
#map1 = affine_map<(d0, d1) -> (0)>
module attributes {stable_mosaic.version = 14 : i64} {
  func.func @k(%arg0: i32, %arg1: i32, %arg2: memref<10000x128xf32, #tpu.memory_space<hbm>>, %arg3: memref<320000xi32, #tpu.memory_space<hbm>>, %arg4: memref<320000x128xf32, #tpu.memory_space<hbm>>, %arg5: memref<128xi32, #tpu.memory_space<vmem>>, %arg6: memref<128x128xf32, #tpu.memory_space<vmem>>, %arg7: memref<!tpu.dma_semaphore, #tpu.memory_space<semaphore_mem>>) attributes {dimension_semantics = [#tpu.dimension_semantics<core_parallel>, #tpu.dimension_semantics<subcore_parallel>], iteration_bounds = array<i64: 2, 16>, scalar_prefetch = 0 : i64, scratch_operands = 3 : i64, tpu.core_type = #tpu.core_type<sc_vector_subcore>, window_params = [{transform_indices = #map}, {transform_indices = #map1}, {transform_indices = #map}]} {
    %mul3A = arith.constant 2 : i32
    %mul3A_0 = arith.muli %arg1, %mul3A : i32
    %add3A = arith.addi %mul3A_0, %arg0 : i32
    %mul3A_1 = arith.constant 78 : i32
    %mul3A_2 = arith.muli %mul3A_1, %add3A : i32
    %min3A = arith.constant 4 : i32
    %min3A_3 = arith.minsi %add3A, %min3A : i32
    %add3A_4 = arith.addi %mul3A_2, %min3A_3 : i32
    %lt3A = arith.constant 4 : i32
    %lt3A_5 = arith.cmpi slt, %add3A, %lt3A : i32
    %convert_element_type3A = arith.extui %lt3A_5 : i1 to i32
    %add3A_6 = arith.constant 78 : i32
    %add3A_7 = arith.addi %add3A_6, %convert_element_type3A : i32
    %while3A = arith.constant 0 : i32
    %while3A_8 = arith.constant 0 : i32
    %while3A_9 = arith.subi %add3A_7, %while3A_8 : i32
    %while3A_10 = arith.addi %while3A_8, %while3A_9 : i32
    %while3A_11 = arith.constant 1 : i32
    %while3A_12 = arith.divsi %while3A_9, %while3A_11 : i32
    %while3A_13 = arith.muli %while3A_12, %while3A_11 : i32
    %while3A_14 = arith.addi %while3A_8, %while3A_13 : i32
    %while3A_15 = arith.constant 1 : i32
    scf.for %while3A_17 = %while3A_8 to %while3A_14 step %while3A_15  : i32 {
      %add3A_18 = arith.addi %add3A_4, %while3A_17 : i32
      %mul3A_19 = arith.constant 128 : i32
      %mul3A_20 = arith.muli %add3A_18, %mul3A_19 : i32
      %multiple_of3A = tpu.assume_multiple %mul3A_20, 128 : i32
      "tpu.region"() ({
        %run_scoped3A = tpu.sem_alloc : memref<!tpu.dma_semaphore, #tpu.memory_space<semaphore_mem>>
        %dma_start3A_25 = tpu.memref_slice %arg3[%multiple_of3A] : memref<320000xi32, #tpu.memory_space<hbm>> -> memref<128xi32, #tpu.memory_space<hbm>>
        %dma_start3A_26 = tpu.memref_slice %arg3[%multiple_of3A] : memref<320000xi32, #tpu.memory_space<hbm>> -> memref<128xi32, #tpu.memory_space<hbm>>
        tpu.enqueue_dma source(%dma_start3A_26 : memref<128xi32, #tpu.memory_space<hbm>>) target(%arg5 : memref<128xi32, #tpu.memory_space<vmem>>) target_semaphore(%run_scoped3A : memref<!tpu.dma_semaphore, #tpu.memory_space<semaphore_mem>>)
        %dma_wait3A_27 = tpu.memref_slice %arg3[%multiple_of3A] : memref<320000xi32, #tpu.memory_space<hbm>> -> memref<128xi32, #tpu.memory_space<hbm>>
        %dma_wait3A_28 = tpu.memref_slice %arg3[%multiple_of3A] : memref<320000xi32, #tpu.memory_space<hbm>> -> memref<128xi32, #tpu.memory_space<hbm>>
        tpu.wait_dma2 semaphore(%run_scoped3A : memref<!tpu.dma_semaphore, #tpu.memory_space<semaphore_mem>>) src(%dma_wait3A_28 : memref<128xi32, #tpu.memory_space<hbm>>) dst(%arg5 : memref<128xi32, #tpu.memory_space<vmem>>)
        tpu.yield
      }) : () -> ()
      %dma_start3A = arith.constant 0 : i32
      %dma_start3A_21 = arith.constant 0 : i32
      %dma_start3A_22 = tpu.memref_slice %arg2[%dma_start3A, %dma_start3A_21] : memref<10000x128xf32, #tpu.memory_space<hbm>> -> memref<10000x128xf32, #tpu.memory_space<hbm>>
      tpu.enqueue_indirect_dma source(%dma_start3A_22 : memref<10000x128xf32, #tpu.memory_space<hbm>>) target(%arg6 : memref<128x128xf32, #tpu.memory_space<vmem>>) offsets(%arg5 : memref<128xi32, #tpu.memory_space<vmem>>) semaphore(%arg7 : memref<!tpu.dma_semaphore, #tpu.memory_space<semaphore_mem>>)
      %dma_wait3A = arith.constant 0 : i32
      %dma_wait3A_23 = arith.constant 0 : i32
      %dma_wait3A_24 = tpu.memref_slice %arg2[%dma_wait3A, %dma_wait3A_23] : memref<10000x128xf32, #tpu.memory_space<hbm>> -> memref<10000x128xf32, #tpu.memory_space<hbm>>
      tpu.wait_indirect_dma semaphore(%arg7 : memref<!tpu.dma_semaphore, #tpu.memory_space<semaphore_mem>>) src(%dma_wait3A_24 : memref<10000x128xf32, #tpu.memory_space<hbm>>) dst(%arg6 : memref<128x128xf32, #tpu.memory_space<vmem>>)
      "tpu.region"() ({
        %run_scoped3A = tpu.sem_alloc : memref<!tpu.dma_semaphore, #tpu.memory_space<semaphore_mem>>
        %dma_start3A_25 = arith.constant 0 : i32
        %dma_start3A_26 = tpu.memref_slice %arg4[%multiple_of3A, %dma_start3A_25] : memref<320000x128xf32, #tpu.memory_space<hbm>> -> memref<128x128xf32, #tpu.memory_space<hbm>>
        %dma_start3A_27 = arith.constant 0 : i32
        %dma_start3A_28 = tpu.memref_slice %arg4[%multiple_of3A, %dma_start3A_27] : memref<320000x128xf32, #tpu.memory_space<hbm>> -> memref<128x128xf32, #tpu.memory_space<hbm>>
        tpu.enqueue_dma source(%arg6 : memref<128x128xf32, #tpu.memory_space<vmem>>) target(%dma_start3A_28 : memref<128x128xf32, #tpu.memory_space<hbm>>) target_semaphore(%run_scoped3A : memref<!tpu.dma_semaphore, #tpu.memory_space<semaphore_mem>>)
        %dma_wait3A_29 = arith.constant 0 : i32
        %dma_wait3A_30 = tpu.memref_slice %arg4[%multiple_of3A, %dma_wait3A_29] : memref<320000x128xf32, #tpu.memory_space<hbm>> -> memref<128x128xf32, #tpu.memory_space<hbm>>
        %dma_wait3A_31 = arith.constant 0 : i32
        %dma_wait3A_32 = tpu.memref_slice %arg4[%multiple_of3A, %dma_wait3A_31] : memref<320000x128xf32, #tpu.memory_space<hbm>> -> memref<128x128xf32, #tpu.memory_space<hbm>>
        tpu.wait_dma2 semaphore(%run_scoped3A : memref<!tpu.dma_semaphore, #tpu.memory_space<semaphore_mem>>) src(%arg6 : memref<128x128xf32, #tpu.memory_space<vmem>>) dst(%dma_wait3A_32 : memref<128x128xf32, #tpu.memory_space<hbm>>)
        tpu.yield
      }) : () -> ()
    }
    %while3A_16 = arith.constant 1 : i32
    scf.for %while3A_17 = %while3A_14 to %while3A_10 step %while3A_16  : i32 {
      %add3A_18 = arith.addi %add3A_4, %while3A_17 : i32
      %mul3A_19 = arith.constant 128 : i32
      %mul3A_20 = arith.muli %add3A_18, %mul3A_19 : i32
      %multiple_of3A = tpu.assume_multiple %mul3A_20, 128 : i32
      "tpu.region"() ({
        %run_scoped3A = tpu.sem_alloc : memref<!tpu.dma_semaphore, #tpu.memory_space<semaphore_mem>>
        %dma_start3A_25 = tpu.memref_slice %arg3[%multiple_of3A] : memref<320000xi32, #tpu.memory_space<hbm>> -> memref<128xi32, #tpu.memory_space<hbm>>
        %dma_start3A_26 = tpu.memref_slice %arg3[%multiple_of3A] : memref<320000xi32, #tpu.memory_space<hbm>> -> memref<128xi32, #tpu.memory_space<hbm>>
        tpu.enqueue_dma source(%dma_start3A_26 : memref<128xi32, #tpu.memory_space<hbm>>) target(%arg5 : memref<128xi32, #tpu.memory_space<vmem>>) target_semaphore(%run_scoped3A : memref<!tpu.dma_semaphore, #tpu.memory_space<semaphore_mem>>)
        %dma_wait3A_27 = tpu.memref_slice %arg3[%multiple_of3A] : memref<320000xi32, #tpu.memory_space<hbm>> -> memref<128xi32, #tpu.memory_space<hbm>>
        %dma_wait3A_28 = tpu.memref_slice %arg3[%multiple_of3A] : memref<320000xi32, #tpu.memory_space<hbm>> -> memref<128xi32, #tpu.memory_space<hbm>>
        tpu.wait_dma2 semaphore(%run_scoped3A : memref<!tpu.dma_semaphore, #tpu.memory_space<semaphore_mem>>) src(%dma_wait3A_28 : memref<128xi32, #tpu.memory_space<hbm>>) dst(%arg5 : memref<128xi32, #tpu.memory_space<vmem>>)
        tpu.yield
      }) : () -> ()
      %dma_start3A = arith.constant 0 : i32
      %dma_start3A_21 = arith.constant 0 : i32
      %dma_start3A_22 = tpu.memref_slice %arg2[%dma_start3A, %dma_start3A_21] : memref<10000x128xf32, #tpu.memory_space<hbm>> -> memref<10000x128xf32, #tpu.memory_space<hbm>>
      tpu.enqueue_indirect_dma source(%dma_start3A_22 : memref<10000x128xf32, #tpu.memory_space<hbm>>) target(%arg6 : memref<128x128xf32, #tpu.memory_space<vmem>>) offsets(%arg5 : memref<128xi32, #tpu.memory_space<vmem>>) semaphore(%arg7 : memref<!tpu.dma_semaphore, #tpu.memory_space<semaphore_mem>>)
      %dma_wait3A = arith.constant 0 : i32
      %dma_wait3A_23 = arith.constant 0 : i32
      %dma_wait3A_24 = tpu.memref_slice %arg2[%dma_wait3A, %dma_wait3A_23] : memref<10000x128xf32, #tpu.memory_space<hbm>> -> memref<10000x128xf32, #tpu.memory_space<hbm>>
      tpu.wait_indirect_dma semaphore(%arg7 : memref<!tpu.dma_semaphore, #tpu.memory_space<semaphore_mem>>) src(%dma_wait3A_24 : memref<10000x128xf32, #tpu.memory_space<hbm>>) dst(%arg6 : memref<128x128xf32, #tpu.memory_space<vmem>>)
      "tpu.region"() ({
        %run_scoped3A = tpu.sem_alloc : memref<!tpu.dma_semaphore, #tpu.memory_space<semaphore_mem>>
        %dma_start3A_25 = arith.constant 0 : i32
        %dma_start3A_26 = tpu.memref_slice %arg4[%multiple_of3A, %dma_start3A_25] : memref<320000x128xf32, #tpu.memory_space<hbm>> -> memref<128x128xf32, #tpu.memory_space<hbm>>
        %dma_start3A_27 = arith.constant 0 : i32
        %dma_start3A_28 = tpu.memref_slice %arg4[%multiple_of3A, %dma_start3A_27] : memref<320000x128xf32, #tpu.memory_space<hbm>> -> memref<128x128xf32, #tpu.memory_space<hbm>>
        tpu.enqueue_dma source(%arg6 : memref<128x128xf32, #tpu.memory_space<vmem>>) target(%dma_start3A_28 : memref<128x128xf32, #tpu.memory_space<hbm>>) target_semaphore(%run_scoped3A : memref<!tpu.dma_semaphore, #tpu.memory_space<semaphore_mem>>)
        %dma_wait3A_29 = arith.constant 0 : i32
        %dma_wait3A_30 = tpu.memref_slice %arg4[%multiple_of3A, %dma_wait3A_29] : memref<320000x128xf32, #tpu.memory_space<hbm>> -> memref<128x128xf32, #tpu.memory_space<hbm>>
        %dma_wait3A_31 = arith.constant 0 : i32
        %dma_wait3A_32 = tpu.memref_slice %arg4[%multiple_of3A, %dma_wait3A_31] : memref<320000x128xf32, #tpu.memory_space<hbm>> -> memref<128x128xf32, #tpu.memory_space<hbm>>
        tpu.wait_dma2 semaphore(%run_scoped3A : memref<!tpu.dma_semaphore, #tpu.memory_space<semaphore_mem>>) src(%arg6 : memref<128x128xf32, #tpu.memory_space<vmem>>) dst(%dma_wait3A_32 : memref<128x128xf32, #tpu.memory_space<hbm>>)
        tpu.yield
      }) : () -> ()
    }
    return
  }
}

#map = affine_map<(d0, d1) -> (0, 0)>
#map1 = affine_map<(d0, d1) -> (0)>
module attributes {stable_mosaic.version = 14 : i64} {
  func.func @k(%arg0: i32, %arg1: i32, %arg2: memref<320000x128xf32, #tpu.memory_space<hbm>>, %arg3: memref<160000xi32, #tpu.memory_space<hbm>>, %arg4: memref<632x128xf32, #tpu.memory_space<hbm>>, %arg5: memref<20224x128xf32, #tpu.memory_space<hbm>>, %arg6: memref<128xi32, #tpu.memory_space<vmem>>, %arg7: memref<128x128xf32, #tpu.memory_space<vmem>>, %arg8: memref<10112x128xf32, #tpu.memory_space<vmem_shared>>) attributes {dimension_semantics = [#tpu.dimension_semantics<core_parallel>, #tpu.dimension_semantics<subcore_parallel>], iteration_bounds = array<i64: 2, 16>, scalar_prefetch = 0 : i64, scratch_operands = 3 : i64, tpu.core_type = #tpu.core_type<sc_vector_subcore>, window_params = [{transform_indices = #map}, {transform_indices = #map1}, {transform_indices = #map}, {transform_indices = #map}]} {
    %mul3A = arith.constant 632 : i32
    %mul3A_0 = arith.muli %arg1, %mul3A : i32
    %multiple_of3A = tpu.assume_multiple %mul3A_0, 8 : i32
    %mul3A_1 = arith.constant 78 : i32
    %mul3A_2 = arith.muli %mul3A_1, %arg1 : i32
    %min3A = arith.constant 2 : i32
    %min3A_3 = arith.minsi %arg1, %min3A : i32
    %add3A = arith.addi %mul3A_2, %min3A_3 : i32
    %lt3A = arith.constant 2 : i32
    %lt3A_4 = arith.cmpi slt, %arg1, %lt3A : i32
    %convert_element_type3A = arith.extui %lt3A_4 : i1 to i32
    %add3A_5 = arith.constant 78 : i32
    %add3A_6 = arith.addi %add3A_5, %convert_element_type3A : i32
    %mul3A_7 = arith.constant 160000 : i32
    %mul3A_8 = arith.muli %arg0, %mul3A_7 : i32
    "tpu.region"() ({
      %run_scoped3A = tpu.sem_alloc : memref<!tpu.dma_semaphore, #tpu.memory_space<semaphore_mem>>
      %dma_start3A = arith.constant 0 : i32
      %dma_start3A_23 = tpu.memref_slice %arg8[%multiple_of3A, %dma_start3A] : memref<10112x128xf32, #tpu.memory_space<vmem_shared>> -> memref<632x128xf32, #tpu.memory_space<vmem_shared>>
      tpu.enqueue_dma source(%arg4 : memref<632x128xf32, #tpu.memory_space<hbm>>) target(%dma_start3A_23 : memref<632x128xf32, #tpu.memory_space<vmem_shared>>) target_semaphore(%run_scoped3A : memref<!tpu.dma_semaphore, #tpu.memory_space<semaphore_mem>>)
      %dma_wait3A = arith.constant 0 : i32
      %dma_wait3A_24 = tpu.memref_slice %arg8[%multiple_of3A, %dma_wait3A] : memref<10112x128xf32, #tpu.memory_space<vmem_shared>> -> memref<632x128xf32, #tpu.memory_space<vmem_shared>>
      tpu.wait_dma2 semaphore(%run_scoped3A : memref<!tpu.dma_semaphore, #tpu.memory_space<semaphore_mem>>) src(%arg4 : memref<632x128xf32, #tpu.memory_space<hbm>>) dst(%dma_wait3A_24 : memref<632x128xf32, #tpu.memory_space<vmem_shared>>)
      tpu.yield
    }) : () -> ()
    %barrier3A = arith.constant 0 : index
    tpu.barrier barrier_id(%barrier3A)
    %while3A = arith.constant 0 : i32
    %while3A_9 = arith.constant 0 : i32
    %while3A_10 = arith.subi %add3A_6, %while3A_9 : i32
    %while3A_11 = arith.addi %while3A_9, %while3A_10 : i32
    %while3A_12 = arith.constant 1 : i32
    %while3A_13 = arith.divsi %while3A_10, %while3A_12 : i32
    %while3A_14 = arith.muli %while3A_13, %while3A_12 : i32
    %while3A_15 = arith.addi %while3A_9, %while3A_14 : i32
    %while3A_16 = arith.constant 1 : i32
    scf.for %while3A_23 = %while3A_9 to %while3A_15 step %while3A_16  : i32 {
      %add3A_24 = arith.addi %add3A, %while3A_23 : i32
      %mul3A_25 = arith.constant 128 : i32
      %mul3A_26 = arith.muli %add3A_24, %mul3A_25 : i32
      %multiple_of3A_27 = tpu.assume_multiple %mul3A_26, 128 : i32
      "tpu.region"() ({
        %run_scoped3A = tpu.sem_alloc : memref<!tpu.dma_semaphore, #tpu.memory_space<semaphore_mem>>
        %dma_start3A = tpu.memref_slice %arg3[%multiple_of3A_27] : memref<160000xi32, #tpu.memory_space<hbm>> -> memref<128xi32, #tpu.memory_space<hbm>>
        %dma_start3A_30 = tpu.memref_slice %arg3[%multiple_of3A_27] : memref<160000xi32, #tpu.memory_space<hbm>> -> memref<128xi32, #tpu.memory_space<hbm>>
        tpu.enqueue_dma source(%dma_start3A_30 : memref<128xi32, #tpu.memory_space<hbm>>) target(%arg6 : memref<128xi32, #tpu.memory_space<vmem>>) target_semaphore(%run_scoped3A : memref<!tpu.dma_semaphore, #tpu.memory_space<semaphore_mem>>)
        %dma_wait3A = tpu.memref_slice %arg3[%multiple_of3A_27] : memref<160000xi32, #tpu.memory_space<hbm>> -> memref<128xi32, #tpu.memory_space<hbm>>
        %dma_wait3A_31 = tpu.memref_slice %arg3[%multiple_of3A_27] : memref<160000xi32, #tpu.memory_space<hbm>> -> memref<128xi32, #tpu.memory_space<hbm>>
        tpu.wait_dma2 semaphore(%run_scoped3A : memref<!tpu.dma_semaphore, #tpu.memory_space<semaphore_mem>>) src(%dma_wait3A_31 : memref<128xi32, #tpu.memory_space<hbm>>) dst(%arg6 : memref<128xi32, #tpu.memory_space<vmem>>)
        tpu.yield
      }) : () -> ()
      %add3A_28 = arith.addi %mul3A_8, %multiple_of3A_27 : i32
      %multiple_of3A_29 = tpu.assume_multiple %add3A_28, 128 : i32
      "tpu.region"() ({
        %run_scoped3A = tpu.sem_alloc : memref<!tpu.dma_semaphore, #tpu.memory_space<semaphore_mem>>
        %dma_start3A = arith.constant 0 : i32
        %dma_start3A_30 = tpu.memref_slice %arg2[%multiple_of3A_29, %dma_start3A] : memref<320000x128xf32, #tpu.memory_space<hbm>> -> memref<128x128xf32, #tpu.memory_space<hbm>>
        %dma_start3A_31 = arith.constant 0 : i32
        %dma_start3A_32 = tpu.memref_slice %arg2[%multiple_of3A_29, %dma_start3A_31] : memref<320000x128xf32, #tpu.memory_space<hbm>> -> memref<128x128xf32, #tpu.memory_space<hbm>>
        tpu.enqueue_dma source(%dma_start3A_32 : memref<128x128xf32, #tpu.memory_space<hbm>>) target(%arg7 : memref<128x128xf32, #tpu.memory_space<vmem>>) target_semaphore(%run_scoped3A : memref<!tpu.dma_semaphore, #tpu.memory_space<semaphore_mem>>)
        %dma_wait3A = arith.constant 0 : i32
        %dma_wait3A_33 = tpu.memref_slice %arg2[%multiple_of3A_29, %dma_wait3A] : memref<320000x128xf32, #tpu.memory_space<hbm>> -> memref<128x128xf32, #tpu.memory_space<hbm>>
        %dma_wait3A_34 = arith.constant 0 : i32
        %dma_wait3A_35 = tpu.memref_slice %arg2[%multiple_of3A_29, %dma_wait3A_34] : memref<320000x128xf32, #tpu.memory_space<hbm>> -> memref<128x128xf32, #tpu.memory_space<hbm>>
        tpu.wait_dma2 semaphore(%run_scoped3A : memref<!tpu.dma_semaphore, #tpu.memory_space<semaphore_mem>>) src(%dma_wait3A_35 : memref<128x128xf32, #tpu.memory_space<hbm>>) dst(%arg7 : memref<128x128xf32, #tpu.memory_space<vmem>>)
        tpu.yield
      }) : () -> ()
      "tpu.region"() ({
        %run_scoped3A = tpu.sem_alloc : memref<!tpu.dma_semaphore, #tpu.memory_space<semaphore_mem>>
        %dma_start3A = arith.constant 0 : i32
        %dma_start3A_30 = arith.constant 0 : i32
        %dma_start3A_31 = tpu.memref_slice %arg8[%dma_start3A, %dma_start3A_30] : memref<10112x128xf32, #tpu.memory_space<vmem_shared>> -> memref<10112x128xf32, #tpu.memory_space<vmem_shared>>
        tpu.enqueue_indirect_dma source(%arg7 : memref<128x128xf32, #tpu.memory_space<vmem>>) target(%dma_start3A_31 : memref<10112x128xf32, #tpu.memory_space<vmem_shared>>) offsets(%arg6 : memref<128xi32, #tpu.memory_space<vmem>>) semaphore(%run_scoped3A : memref<!tpu.dma_semaphore, #tpu.memory_space<semaphore_mem>>) {add = true}
        %dma_wait3A = arith.constant 0 : i32
        %dma_wait3A_32 = arith.constant 0 : i32
        %dma_wait3A_33 = tpu.memref_slice %arg8[%dma_wait3A, %dma_wait3A_32] : memref<10112x128xf32, #tpu.memory_space<vmem_shared>> -> memref<10112x128xf32, #tpu.memory_space<vmem_shared>>
        tpu.wait_indirect_dma semaphore(%run_scoped3A : memref<!tpu.dma_semaphore, #tpu.memory_space<semaphore_mem>>) src(%arg7 : memref<128x128xf32, #tpu.memory_space<vmem>>) dst(%dma_wait3A_33 : memref<10112x128xf32, #tpu.memory_space<vmem_shared>>)
        tpu.yield
      }) : () -> ()
    }
    %while3A_17 = arith.constant 1 : i32
    scf.for %while3A_23 = %while3A_15 to %while3A_11 step %while3A_17  : i32 {
      %add3A_24 = arith.addi %add3A, %while3A_23 : i32
      %mul3A_25 = arith.constant 128 : i32
      %mul3A_26 = arith.muli %add3A_24, %mul3A_25 : i32
      %multiple_of3A_27 = tpu.assume_multiple %mul3A_26, 128 : i32
      "tpu.region"() ({
        %run_scoped3A = tpu.sem_alloc : memref<!tpu.dma_semaphore, #tpu.memory_space<semaphore_mem>>
        %dma_start3A = tpu.memref_slice %arg3[%multiple_of3A_27] : memref<160000xi32, #tpu.memory_space<hbm>> -> memref<128xi32, #tpu.memory_space<hbm>>
        %dma_start3A_30 = tpu.memref_slice %arg3[%multiple_of3A_27] : memref<160000xi32, #tpu.memory_space<hbm>> -> memref<128xi32, #tpu.memory_space<hbm>>
        tpu.enqueue_dma source(%dma_start3A_30 : memref<128xi32, #tpu.memory_space<hbm>>) target(%arg6 : memref<128xi32, #tpu.memory_space<vmem>>) target_semaphore(%run_scoped3A : memref<!tpu.dma_semaphore, #tpu.memory_space<semaphore_mem>>)
        %dma_wait3A = tpu.memref_slice %arg3[%multiple_of3A_27] : memref<160000xi32, #tpu.memory_space<hbm>> -> memref<128xi32, #tpu.memory_space<hbm>>
        %dma_wait3A_31 = tpu.memref_slice %arg3[%multiple_of3A_27] : memref<160000xi32, #tpu.memory_space<hbm>> -> memref<128xi32, #tpu.memory_space<hbm>>
        tpu.wait_dma2 semaphore(%run_scoped3A : memref<!tpu.dma_semaphore, #tpu.memory_space<semaphore_mem>>) src(%dma_wait3A_31 : memref<128xi32, #tpu.memory_space<hbm>>) dst(%arg6 : memref<128xi32, #tpu.memory_space<vmem>>)
        tpu.yield
      }) : () -> ()
      %add3A_28 = arith.addi %mul3A_8, %multiple_of3A_27 : i32
      %multiple_of3A_29 = tpu.assume_multiple %add3A_28, 128 : i32
      "tpu.region"() ({
        %run_scoped3A = tpu.sem_alloc : memref<!tpu.dma_semaphore, #tpu.memory_space<semaphore_mem>>
        %dma_start3A = arith.constant 0 : i32
        %dma_start3A_30 = tpu.memref_slice %arg2[%multiple_of3A_29, %dma_start3A] : memref<320000x128xf32, #tpu.memory_space<hbm>> -> memref<128x128xf32, #tpu.memory_space<hbm>>
        %dma_start3A_31 = arith.constant 0 : i32
        %dma_start3A_32 = tpu.memref_slice %arg2[%multiple_of3A_29, %dma_start3A_31] : memref<320000x128xf32, #tpu.memory_space<hbm>> -> memref<128x128xf32, #tpu.memory_space<hbm>>
        tpu.enqueue_dma source(%dma_start3A_32 : memref<128x128xf32, #tpu.memory_space<hbm>>) target(%arg7 : memref<128x128xf32, #tpu.memory_space<vmem>>) target_semaphore(%run_scoped3A : memref<!tpu.dma_semaphore, #tpu.memory_space<semaphore_mem>>)
        %dma_wait3A = arith.constant 0 : i32
        %dma_wait3A_33 = tpu.memref_slice %arg2[%multiple_of3A_29, %dma_wait3A] : memref<320000x128xf32, #tpu.memory_space<hbm>> -> memref<128x128xf32, #tpu.memory_space<hbm>>
        %dma_wait3A_34 = arith.constant 0 : i32
        %dma_wait3A_35 = tpu.memref_slice %arg2[%multiple_of3A_29, %dma_wait3A_34] : memref<320000x128xf32, #tpu.memory_space<hbm>> -> memref<128x128xf32, #tpu.memory_space<hbm>>
        tpu.wait_dma2 semaphore(%run_scoped3A : memref<!tpu.dma_semaphore, #tpu.memory_space<semaphore_mem>>) src(%dma_wait3A_35 : memref<128x128xf32, #tpu.memory_space<hbm>>) dst(%arg7 : memref<128x128xf32, #tpu.memory_space<vmem>>)
        tpu.yield
      }) : () -> ()
      "tpu.region"() ({
        %run_scoped3A = tpu.sem_alloc : memref<!tpu.dma_semaphore, #tpu.memory_space<semaphore_mem>>
        %dma_start3A = arith.constant 0 : i32
        %dma_start3A_30 = arith.constant 0 : i32
        %dma_start3A_31 = tpu.memref_slice %arg8[%dma_start3A, %dma_start3A_30] : memref<10112x128xf32, #tpu.memory_space<vmem_shared>> -> memref<10112x128xf32, #tpu.memory_space<vmem_shared>>
        tpu.enqueue_indirect_dma source(%arg7 : memref<128x128xf32, #tpu.memory_space<vmem>>) target(%dma_start3A_31 : memref<10112x128xf32, #tpu.memory_space<vmem_shared>>) offsets(%arg6 : memref<128xi32, #tpu.memory_space<vmem>>) semaphore(%run_scoped3A : memref<!tpu.dma_semaphore, #tpu.memory_space<semaphore_mem>>) {add = true}
        %dma_wait3A = arith.constant 0 : i32
        %dma_wait3A_32 = arith.constant 0 : i32
        %dma_wait3A_33 = tpu.memref_slice %arg8[%dma_wait3A, %dma_wait3A_32] : memref<10112x128xf32, #tpu.memory_space<vmem_shared>> -> memref<10112x128xf32, #tpu.memory_space<vmem_shared>>
        tpu.wait_indirect_dma semaphore(%run_scoped3A : memref<!tpu.dma_semaphore, #tpu.memory_space<semaphore_mem>>) src(%arg7 : memref<128x128xf32, #tpu.memory_space<vmem>>) dst(%dma_wait3A_33 : memref<10112x128xf32, #tpu.memory_space<vmem_shared>>)
        tpu.yield
      }) : () -> ()
    }
    %barrier3A_18 = arith.constant 0 : index
    tpu.barrier barrier_id(%barrier3A_18)
    %mul3A_19 = arith.constant 10112 : i32
    %mul3A_20 = arith.muli %arg0, %mul3A_19 : i32
    %add3A_21 = arith.addi %mul3A_20, %multiple_of3A : i32
    %multiple_of3A_22 = tpu.assume_multiple %add3A_21, 8 : i32
    "tpu.region"() ({
      %run_scoped3A = tpu.sem_alloc : memref<!tpu.dma_semaphore, #tpu.memory_space<semaphore_mem>>
      %dma_start3A = arith.constant 0 : i32
      %dma_start3A_23 = tpu.memref_slice %arg5[%multiple_of3A_22, %dma_start3A] : memref<20224x128xf32, #tpu.memory_space<hbm>> -> memref<632x128xf32, #tpu.memory_space<hbm>>
      %dma_start3A_24 = arith.constant 0 : i32
      %dma_start3A_25 = tpu.memref_slice %arg8[%multiple_of3A, %dma_start3A_24] : memref<10112x128xf32, #tpu.memory_space<vmem_shared>> -> memref<632x128xf32, #tpu.memory_space<vmem_shared>>
      tpu.enqueue_dma source(%dma_start3A_25 : memref<632x128xf32, #tpu.memory_space<vmem_shared>>) target(%dma_start3A_23 : memref<632x128xf32, #tpu.memory_space<hbm>>) target_semaphore(%run_scoped3A : memref<!tpu.dma_semaphore, #tpu.memory_space<semaphore_mem>>)
      %dma_wait3A = arith.constant 0 : i32
      %dma_wait3A_26 = tpu.memref_slice %arg5[%multiple_of3A_22, %dma_wait3A] : memref<20224x128xf32, #tpu.memory_space<hbm>> -> memref<632x128xf32, #tpu.memory_space<hbm>>
      %dma_wait3A_27 = arith.constant 0 : i32
      %dma_wait3A_28 = tpu.memref_slice %arg8[%multiple_of3A, %dma_wait3A_27] : memref<10112x128xf32, #tpu.memory_space<vmem_shared>> -> memref<632x128xf32, #tpu.memory_space<vmem_shared>>
      tpu.wait_dma2 semaphore(%run_scoped3A : memref<!tpu.dma_semaphore, #tpu.memory_space<semaphore_mem>>) src(%dma_wait3A_28 : memref<632x128xf32, #tpu.memory_space<vmem_shared>>) dst(%dma_wait3A_26 : memref<632x128xf32, #tpu.memory_space<hbm>>)
      tpu.yield
    }) : () -> ()
    return
  }
}

module attributes {stable_mosaic.version = 14 : i64} {
  func.func @_msg_kernel(%arg0: i32, %arg1: memref<1600x128xf32, #tpu.memory_space<vmem>>, %arg2: memref<1600x128xf32, #tpu.memory_space<vmem>>, %arg3: memref<1600x4xf32, #tpu.memory_space<vmem>>, %arg4: memref<1x64xf32, #tpu.memory_space<vmem>>, %arg5: memref<1x64xf32, #tpu.memory_space<vmem>>, %arg6: memref<64x64xf32, #tpu.memory_space<vmem>>, %arg7: memref<1x64xf32, #tpu.memory_space<vmem>>, %arg8: memref<64x64xf32, #tpu.memory_space<vmem>>, %arg9: memref<192x192xf32, #tpu.memory_space<vmem>>, %arg10: memref<384x64xf32, #tpu.memory_space<vmem>>, %arg11: memref<1x64xf32, #tpu.memory_space<vmem>>, %arg12: memref<192x64xf32, #tpu.memory_space<vmem>>, %arg13: memref<64x64xf32, #tpu.memory_space<vmem>>, %arg14: memref<128x64xf32, #tpu.memory_space<vmem>>, %arg15: memref<1x64xf32, #tpu.memory_space<vmem>>, %arg16: memref<64x64xf32, #tpu.memory_space<vmem>>, %arg17: memref<64x64xf32, #tpu.memory_space<vmem>>, %arg18: memref<128x64xf32, #tpu.memory_space<vmem>>, %arg19: memref<1x64xf32, #tpu.memory_space<vmem>>, %arg20: memref<64x64xf32, #tpu.memory_space<vmem>>, %arg21: memref<2x1600x128xf32, #tpu.memory_space<vmem>>) attributes {dimension_semantics = [#tpu.dimension_semantics<arbitrary>], iteration_bounds = array<i64: 100>, scalar_prefetch = 0 : i64, scratch_operands = 0 : i64, tpu.core_type = #tpu.core_type<tc>, window_params = [{transform_indices = @transform_0, window_bounds = array<i64: 1600, 128>}, {transform_indices = @transform_1, window_bounds = array<i64: 1600, 128>}, {transform_indices = @transform_2, window_bounds = array<i64: 1600, 4>}, {pipeline_mode = #tpu.pipeline_mode<synchronous>, transform_indices = @transform_3, window_bounds = array<i64: 1, 64>}, {pipeline_mode = #tpu.pipeline_mode<synchronous>, transform_indices = @transform_4, window_bounds = array<i64: 1, 64>}, {pipeline_mode = #tpu.pipeline_mode<synchronous>, transform_indices = @transform_5, window_bounds = array<i64: 64, 64>}, {pipeline_mode = #tpu.pipeline_mode<synchronous>, transform_indices = @transform_6, window_bounds = array<i64: 1, 64>}, {pipeline_mode = #tpu.pipeline_mode<synchronous>, transform_indices = @transform_7, window_bounds = array<i64: 64, 64>}, {pipeline_mode = #tpu.pipeline_mode<synchronous>, transform_indices = @transform_8, window_bounds = array<i64: 192, 192>}, {pipeline_mode = #tpu.pipeline_mode<synchronous>, transform_indices = @transform_9, window_bounds = array<i64: 384, 64>}, {pipeline_mode = #tpu.pipeline_mode<synchronous>, transform_indices = @transform_10, window_bounds = array<i64: 1, 64>}, {pipeline_mode = #tpu.pipeline_mode<synchronous>, transform_indices = @transform_11, window_bounds = array<i64: 192, 64>}, {pipeline_mode = #tpu.pipeline_mode<synchronous>, transform_indices = @transform_12, window_bounds = array<i64: 64, 64>}, {pipeline_mode = #tpu.pipeline_mode<synchronous>, transform_indices = @transform_13, window_bounds = array<i64: 128, 64>}, {pipeline_mode = #tpu.pipeline_mode<synchronous>, transform_indices = @transform_14, window_bounds = array<i64: 1, 64>}, {pipeline_mode = #tpu.pipeline_mode<synchronous>, transform_indices = @transform_15, window_bounds = array<i64: 64, 64>}, {pipeline_mode = #tpu.pipeline_mode<synchronous>, transform_indices = @transform_16, window_bounds = array<i64: 64, 64>}, {pipeline_mode = #tpu.pipeline_mode<synchronous>, transform_indices = @transform_17, window_bounds = array<i64: 128, 64>}, {pipeline_mode = #tpu.pipeline_mode<synchronous>, transform_indices = @transform_18, window_bounds = array<i64: 1, 64>}, {pipeline_mode = #tpu.pipeline_mode<synchronous>, transform_indices = @transform_19, window_bounds = array<i64: 64, 64>}, {transform_indices = @transform_20, window_bounds = array<i64: 2, 1600, 128>}]} {
    %get3A = arith.constant 0 : index
    %get3A_0 = arith.constant 0 : index
    %get3A_1 = vector.load %arg3[%get3A, %get3A_0] : memref<1600x4xf32, #tpu.memory_space<vmem>>, vector<1600x1xf32>
    %get3A_2 = arith.constant 0 : index
    %get3A_3 = arith.constant 0 : index
    %get3A_4 = vector.load %arg4[%get3A_2, %get3A_3] : memref<1x64xf32, #tpu.memory_space<vmem>>, vector<1x64xf32>
    %get3A_5 = arith.constant 0 : index
    %get3A_6 = arith.constant 1 : index
    %get3A_7 = vector.load %arg3[%get3A_5, %get3A_6] : memref<1600x4xf32, #tpu.memory_space<vmem>>, vector<1600x1xf32>
    %mul3A = vector.broadcast %get3A_7 : vector<1600x1xf32> to vector<1600x64xf32>
    %mul3A_8 = vector.broadcast %get3A_4 : vector<1x64xf32> to vector<1600x64xf32>
    %mul3A_9 = arith.mulf %mul3A, %mul3A_8 : vector<1600x64xf32>
    %get3A_10 = arith.constant 0 : index
    %get3A_11 = arith.constant 2 : index
    %get3A_12 = vector.load %arg3[%get3A_10, %get3A_11] : memref<1600x4xf32, #tpu.memory_space<vmem>>, vector<1600x1xf32>
    %mul3A_13 = vector.broadcast %get3A_12 : vector<1600x1xf32> to vector<1600x64xf32>
    %mul3A_14 = vector.broadcast %get3A_4 : vector<1x64xf32> to vector<1600x64xf32>
    %mul3A_15 = arith.mulf %mul3A_13, %mul3A_14 : vector<1600x64xf32>
    %get3A_16 = arith.constant 0 : index
    %get3A_17 = arith.constant 3 : index
    %get3A_18 = vector.load %arg3[%get3A_16, %get3A_17] : memref<1600x4xf32, #tpu.memory_space<vmem>>, vector<1600x1xf32>
    %mul3A_19 = vector.broadcast %get3A_18 : vector<1600x1xf32> to vector<1600x64xf32>
    %mul3A_20 = vector.broadcast %get3A_4 : vector<1x64xf32> to vector<1600x64xf32>
    %mul3A_21 = arith.mulf %mul3A_19, %mul3A_20 : vector<1600x64xf32>
    %mul3A_22 = arith.mulf %mul3A_9, %mul3A_9 : vector<1600x64xf32>
    %mul3A_23 = arith.mulf %mul3A_15, %mul3A_15 : vector<1600x64xf32>
    %add3A = arith.addf %mul3A_22, %mul3A_23 : vector<1600x64xf32>
    %mul3A_24 = arith.mulf %mul3A_21, %mul3A_21 : vector<1600x64xf32>
    %add3A_25 = arith.addf %add3A, %mul3A_24 : vector<1600x64xf32>
    %max3A = arith.constant 9.99999993E-9 : f32
    %max3A_26 = vector.broadcast %max3A : f32 to vector<1600x64xf32>
    %max3A_27 = arith.maximumf %add3A_25, %max3A_26 : vector<1600x64xf32>
    %sqrt3A = math.sqrt %max3A_27 : vector<1600x64xf32>
    %get3A_28 = arith.constant 0 : index
    %get3A_29 = arith.constant 0 : index
    %get3A_30 = vector.load %arg5[%get3A_28, %get3A_29] : memref<1x64xf32, #tpu.memory_space<vmem>>, vector<1x64xf32>
    %mul3A_31 = vector.broadcast %get3A_1 : vector<1600x1xf32> to vector<1600x64xf32>
    %mul3A_32 = vector.broadcast %get3A_30 : vector<1x64xf32> to vector<1600x64xf32>
    %mul3A_33 = arith.mulf %mul3A_31, %mul3A_32 : vector<1600x64xf32>
    %get3A_34 = arith.constant 0 : index
    %get3A_35 = arith.constant 0 : index
    %get3A_36 = vector.load %arg6[%get3A_34, %get3A_35] : memref<64x64xf32, #tpu.memory_space<vmem>>, vector<64x64xf32>
    %dot_general3A = arith.constant dense<0.000000e+00> : vector<1600x64xf32>
    %dot_general3A_37 = tpu.matmul %sqrt3A, %get3A_36, %dot_general3A {dimension_numbers = #tpu.dot_dimension_numbers<[1], [0], [0], [1], [0, 0, 1, 1], [], []>, transpose_lhs_hint = false} : vector<1600x64xf32>, vector<64x64xf32>, vector<1600x64xf32> -> vector<1600x64xf32>
    %add3A_38 = arith.addf %mul3A_33, %dot_general3A_37 : vector<1600x64xf32>
    %get3A_39 = arith.constant 0 : index
    %get3A_40 = arith.constant 0 : index
    %get3A_41 = vector.load %arg7[%get3A_39, %get3A_40] : memref<1x64xf32, #tpu.memory_space<vmem>>, vector<1x64xf32>
    %add3A_42 = vector.broadcast %get3A_41 : vector<1x64xf32> to vector<1600x64xf32>
    %add3A_43 = arith.addf %add3A_38, %add3A_42 : vector<1600x64xf32>
    %max3A_44 = arith.constant 0.000000e+00 : f32
    %max3A_45 = vector.broadcast %max3A_44 : f32 to vector<1600x64xf32>
    %max3A_46 = arith.maximumf %add3A_43, %max3A_45 : vector<1600x64xf32>
    %get3A_47 = arith.constant 0 : index
    %get3A_48 = arith.constant 0 : index
    %get3A_49 = vector.load %arg8[%get3A_47, %get3A_48] : memref<64x64xf32, #tpu.memory_space<vmem>>, vector<64x64xf32>
    %dot_general3A_50 = arith.constant dense<0.000000e+00> : vector<1600x64xf32>
    %dot_general3A_51 = tpu.matmul %mul3A_9, %get3A_49, %dot_general3A_50 {dimension_numbers = #tpu.dot_dimension_numbers<[1], [0], [0], [1], [0, 0, 1, 1], [], []>, transpose_lhs_hint = false} : vector<1600x64xf32>, vector<64x64xf32>, vector<1600x64xf32> -> vector<1600x64xf32>
    %get3A_52 = arith.constant 0 : index
    %get3A_53 = arith.constant 0 : index
    %get3A_54 = vector.load %arg8[%get3A_52, %get3A_53] : memref<64x64xf32, #tpu.memory_space<vmem>>, vector<64x64xf32>
    %dot_general3A_55 = arith.constant dense<0.000000e+00> : vector<1600x64xf32>
    %dot_general3A_56 = tpu.matmul %mul3A_15, %get3A_54, %dot_general3A_55 {dimension_numbers = #tpu.dot_dimension_numbers<[1], [0], [0], [1], [0, 0, 1, 1], [], []>, transpose_lhs_hint = false} : vector<1600x64xf32>, vector<64x64xf32>, vector<1600x64xf32> -> vector<1600x64xf32>
    %get3A_57 = arith.constant 0 : index
    %get3A_58 = arith.constant 0 : index
    %get3A_59 = vector.load %arg8[%get3A_57, %get3A_58] : memref<64x64xf32, #tpu.memory_space<vmem>>, vector<64x64xf32>
    %dot_general3A_60 = arith.constant dense<0.000000e+00> : vector<1600x64xf32>
    %dot_general3A_61 = tpu.matmul %mul3A_21, %get3A_59, %dot_general3A_60 {dimension_numbers = #tpu.dot_dimension_numbers<[1], [0], [0], [1], [0, 0, 1, 1], [], []>, transpose_lhs_hint = false} : vector<1600x64xf32>, vector<64x64xf32>, vector<1600x64xf32> -> vector<1600x64xf32>
    %mul3A_62 = arith.mulf %dot_general3A_51, %dot_general3A_51 : vector<1600x64xf32>
    %mul3A_63 = arith.mulf %dot_general3A_56, %dot_general3A_56 : vector<1600x64xf32>
    %add3A_64 = arith.addf %mul3A_62, %mul3A_63 : vector<1600x64xf32>
    %mul3A_65 = arith.mulf %dot_general3A_61, %dot_general3A_61 : vector<1600x64xf32>
    %add3A_66 = arith.addf %add3A_64, %mul3A_65 : vector<1600x64xf32>
    %max3A_67 = arith.constant 9.99999993E-9 : f32
    %max3A_68 = vector.broadcast %max3A_67 : f32 to vector<1600x64xf32>
    %max3A_69 = arith.maximumf %add3A_66, %max3A_68 : vector<1600x64xf32>
    %sqrt3A_70 = math.sqrt %max3A_69 : vector<1600x64xf32>
    %logistic3A = arith.negf %sqrt3A_70 : vector<1600x64xf32>
    %logistic3A_71 = math.exp %logistic3A : vector<1600x64xf32>
    %logistic3A_72 = arith.constant 1.000000e+00 : f32
    %logistic3A_73 = vector.broadcast %logistic3A_72 : f32 to vector<1600x64xf32>
    %logistic3A_74 = arith.addf %logistic3A_73, %logistic3A_71 : vector<1600x64xf32>
    %logistic3A_75 = arith.divf %logistic3A_73, %logistic3A_74 : vector<1600x64xf32>
    %mul3A_76 = arith.mulf %dot_general3A_51, %logistic3A_75 : vector<1600x64xf32>
    %mul3A_77 = arith.mulf %dot_general3A_56, %logistic3A_75 : vector<1600x64xf32>
    %mul3A_78 = arith.mulf %dot_general3A_61, %logistic3A_75 : vector<1600x64xf32>
    %get3A_79 = arith.constant 0 : index
    %get3A_80 = arith.constant 0 : index
    %get3A_81 = vector.load %arg1[%get3A_79, %get3A_80] : memref<1600x128xf32, #tpu.memory_space<vmem>>, vector<1600x128xf32>
    %bitcast_convert_type3A = tpu.bitcast %get3A_81 : vector<1600x128xf32> -> vector<1600x128xi32>
    %shift_left3A = arith.constant 16 : i32
    %shift_left3A_82 = vector.broadcast %shift_left3A : i32 to vector<1600x128xi32>
    %shift_left3A_83 = arith.shli %bitcast_convert_type3A, %shift_left3A_82 : vector<1600x128xi32>
    %bitcast_convert_type3A_84 = tpu.bitcast %shift_left3A_83 : vector<1600x128xi32> -> vector<1600x128xf32>
    %and3A = arith.constant -65536 : i32
    %and3A_85 = vector.broadcast %and3A : i32 to vector<1600x128xi32>
    %and3A_86 = arith.andi %bitcast_convert_type3A, %and3A_85 : vector<1600x128xi32>
    %bitcast_convert_type3A_87 = tpu.bitcast %and3A_86 : vector<1600x128xi32> -> vector<1600x128xf32>
    %get3A_88 = arith.constant 0 : index
    %get3A_89 = arith.constant 0 : index
    %get3A_90 = vector.load %arg2[%get3A_88, %get3A_89] : memref<1600x128xf32, #tpu.memory_space<vmem>>, vector<1600x128xf32>
    %bitcast_convert_type3A_91 = tpu.bitcast %get3A_90 : vector<1600x128xf32> -> vector<1600x128xi32>
    %shift_left3A_92 = arith.constant 16 : i32
    %shift_left3A_93 = vector.broadcast %shift_left3A_92 : i32 to vector<1600x128xi32>
    %shift_left3A_94 = arith.shli %bitcast_convert_type3A_91, %shift_left3A_93 : vector<1600x128xi32>
    %bitcast_convert_type3A_95 = tpu.bitcast %shift_left3A_94 : vector<1600x128xi32> -> vector<1600x128xf32>
    %and3A_96 = arith.constant -65536 : i32
    %and3A_97 = vector.broadcast %and3A_96 : i32 to vector<1600x128xi32>
    %and3A_98 = arith.andi %bitcast_convert_type3A_91, %and3A_97 : vector<1600x128xi32>
    %bitcast_convert_type3A_99 = tpu.bitcast %and3A_98 : vector<1600x128xi32> -> vector<1600x128xf32>
    %slice3A = vector.extract_strided_slice %bitcast_convert_type3A_84 {offsets = [0, 0], sizes = [1600, 64], strides = [1, 1]} : vector<1600x128xf32> to vector<1600x64xf32>
    %slice3A_100 = vector.extract_strided_slice %bitcast_convert_type3A_87 {offsets = [0, 0], sizes = [1600, 64], strides = [1, 1]} : vector<1600x128xf32> to vector<1600x64xf32>
    %slice3A_101 = vector.extract_strided_slice %bitcast_convert_type3A_84 {offsets = [0, 64], sizes = [1600, 64], strides = [1, 1]} : vector<1600x128xf32> to vector<1600x64xf32>
    %slice3A_102 = vector.extract_strided_slice %bitcast_convert_type3A_87 {offsets = [0, 64], sizes = [1600, 64], strides = [1, 1]} : vector<1600x128xf32> to vector<1600x64xf32>
    %slice3A_103 = vector.extract_strided_slice %bitcast_convert_type3A_95 {offsets = [0, 0], sizes = [1600, 64], strides = [1, 1]} : vector<1600x128xf32> to vector<1600x64xf32>
    %slice3A_104 = vector.extract_strided_slice %bitcast_convert_type3A_99 {offsets = [0, 0], sizes = [1600, 64], strides = [1, 1]} : vector<1600x128xf32> to vector<1600x64xf32>
    %slice3A_105 = vector.extract_strided_slice %bitcast_convert_type3A_95 {offsets = [0, 64], sizes = [1600, 64], strides = [1, 1]} : vector<1600x128xf32> to vector<1600x64xf32>
    %slice3A_106 = vector.extract_strided_slice %bitcast_convert_type3A_99 {offsets = [0, 64], sizes = [1600, 64], strides = [1, 1]} : vector<1600x128xf32> to vector<1600x64xf32>
    %get3A_107 = arith.constant 0 : index
    %get3A_108 = arith.constant 0 : index
    %get3A_109 = vector.load %arg9[%get3A_107, %get3A_108] : memref<192x192xf32, #tpu.memory_space<vmem>>, vector<64x192xf32>
    %get3A_110 = arith.constant 64 : index
    %get3A_111 = arith.constant 0 : index
    %get3A_112 = vector.load %arg9[%get3A_110, %get3A_111] : memref<192x192xf32, #tpu.memory_space<vmem>>, vector<64x192xf32>
    %get3A_113 = arith.constant 128 : index
    %get3A_114 = arith.constant 0 : index
    %get3A_115 = vector.load %arg9[%get3A_113, %get3A_114] : memref<192x192xf32, #tpu.memory_space<vmem>>, vector<64x192xf32>
    %dot_general3A_116 = arith.constant dense<0.000000e+00> : vector<1600x192xf32>
    %dot_general3A_117 = tpu.matmul %slice3A_100, %get3A_109, %dot_general3A_116 {dimension_numbers = #tpu.dot_dimension_numbers<[1], [0], [0], [1], [0, 0, 1, 1], [], []>, transpose_lhs_hint = false} : vector<1600x64xf32>, vector<64x192xf32>, vector<1600x192xf32> -> vector<1600x192xf32>
    %dot_general3A_118 = arith.constant dense<0.000000e+00> : vector<1600x192xf32>
    %dot_general3A_119 = tpu.matmul %mul3A_76, %get3A_112, %dot_general3A_118 {dimension_numbers = #tpu.dot_dimension_numbers<[1], [0], [0], [1], [0, 0, 1, 1], [], []>, transpose_lhs_hint = false} : vector<1600x64xf32>, vector<64x192xf32>, vector<1600x192xf32> -> vector<1600x192xf32>
    %add3A_120 = arith.addf %dot_general3A_117, %dot_general3A_119 : vector<1600x192xf32>
    %dot_general3A_121 = arith.constant dense<0.000000e+00> : vector<1600x192xf32>
    %dot_general3A_122 = tpu.matmul %slice3A_104, %get3A_115, %dot_general3A_121 {dimension_numbers = #tpu.dot_dimension_numbers<[1], [0], [0], [1], [0, 0, 1, 1], [], []>, transpose_lhs_hint = false} : vector<1600x64xf32>, vector<64x192xf32>, vector<1600x192xf32> -> vector<1600x192xf32>
    %add3A_123 = arith.addf %add3A_120, %dot_general3A_122 : vector<1600x192xf32>
    %dot_general3A_124 = arith.constant dense<0.000000e+00> : vector<1600x192xf32>
    %dot_general3A_125 = tpu.matmul %slice3A_101, %get3A_109, %dot_general3A_124 {dimension_numbers = #tpu.dot_dimension_numbers<[1], [0], [0], [1], [0, 0, 1, 1], [], []>, transpose_lhs_hint = false} : vector<1600x64xf32>, vector<64x192xf32>, vector<1600x192xf32> -> vector<1600x192xf32>
    %dot_general3A_126 = arith.constant dense<0.000000e+00> : vector<1600x192xf32>
    %dot_general3A_127 = tpu.matmul %mul3A_77, %get3A_112, %dot_general3A_126 {dimension_numbers = #tpu.dot_dimension_numbers<[1], [0], [0], [1], [0, 0, 1, 1], [], []>, transpose_lhs_hint = false} : vector<1600x64xf32>, vector<64x192xf32>, vector<1600x192xf32> -> vector<1600x192xf32>
    %add3A_128 = arith.addf %dot_general3A_125, %dot_general3A_127 : vector<1600x192xf32>
    %dot_general3A_129 = arith.constant dense<0.000000e+00> : vector<1600x192xf32>
    %dot_general3A_130 = tpu.matmul %slice3A_105, %get3A_115, %dot_general3A_129 {dimension_numbers = #tpu.dot_dimension_numbers<[1], [0], [0], [1], [0, 0, 1, 1], [], []>, transpose_lhs_hint = false} : vector<1600x64xf32>, vector<64x192xf32>, vector<1600x192xf32> -> vector<1600x192xf32>
    %add3A_131 = arith.addf %add3A_128, %dot_general3A_130 : vector<1600x192xf32>
    %dot_general3A_132 = arith.constant dense<0.000000e+00> : vector<1600x192xf32>
    %dot_general3A_133 = tpu.matmul %slice3A_102, %get3A_109, %dot_general3A_132 {dimension_numbers = #tpu.dot_dimension_numbers<[1], [0], [0], [1], [0, 0, 1, 1], [], []>, transpose_lhs_hint = false} : vector<1600x64xf32>, vector<64x192xf32>, vector<1600x192xf32> -> vector<1600x192xf32>
    %dot_general3A_134 = arith.constant dense<0.000000e+00> : vector<1600x192xf32>
    %dot_general3A_135 = tpu.matmul %mul3A_78, %get3A_112, %dot_general3A_134 {dimension_numbers = #tpu.dot_dimension_numbers<[1], [0], [0], [1], [0, 0, 1, 1], [], []>, transpose_lhs_hint = false} : vector<1600x64xf32>, vector<64x192xf32>, vector<1600x192xf32> -> vector<1600x192xf32>
    %add3A_136 = arith.addf %dot_general3A_133, %dot_general3A_135 : vector<1600x192xf32>
    %dot_general3A_137 = arith.constant dense<0.000000e+00> : vector<1600x192xf32>
    %dot_general3A_138 = tpu.matmul %slice3A_106, %get3A_115, %dot_general3A_137 {dimension_numbers = #tpu.dot_dimension_numbers<[1], [0], [0], [1], [0, 0, 1, 1], [], []>, transpose_lhs_hint = false} : vector<1600x64xf32>, vector<64x192xf32>, vector<1600x192xf32> -> vector<1600x192xf32>
    %add3A_139 = arith.addf %add3A_136, %dot_general3A_138 : vector<1600x192xf32>
    %mul3A_140 = arith.mulf %add3A_123, %add3A_123 : vector<1600x192xf32>
    %mul3A_141 = arith.mulf %add3A_131, %add3A_131 : vector<1600x192xf32>
    %add3A_142 = arith.addf %mul3A_140, %mul3A_141 : vector<1600x192xf32>
    %mul3A_143 = arith.mulf %add3A_139, %add3A_139 : vector<1600x192xf32>
    %add3A_144 = arith.addf %add3A_142, %mul3A_143 : vector<1600x192xf32>
    %max3A_145 = arith.constant 9.99999993E-9 : f32
    %max3A_146 = vector.broadcast %max3A_145 : f32 to vector<1600x192xf32>
    %max3A_147 = arith.maximumf %add3A_144, %max3A_146 : vector<1600x192xf32>
    %sqrt3A_148 = math.sqrt %max3A_147 : vector<1600x192xf32>
    %get3A_149 = arith.constant 0 : index
    %get3A_150 = arith.constant 0 : index
    %get3A_151 = vector.load %arg10[%get3A_149, %get3A_150] : memref<384x64xf32, #tpu.memory_space<vmem>>, vector<64x64xf32>
    %dot_general3A_152 = arith.constant dense<0.000000e+00> : vector<1600x64xf32>
    %dot_general3A_153 = tpu.matmul %slice3A, %get3A_151, %dot_general3A_152 {dimension_numbers = #tpu.dot_dimension_numbers<[1], [0], [0], [1], [0, 0, 1, 1], [], []>, transpose_lhs_hint = false} : vector<1600x64xf32>, vector<64x64xf32>, vector<1600x64xf32> -> vector<1600x64xf32>
    %get3A_154 = arith.constant 64 : index
    %get3A_155 = arith.constant 0 : index
    %get3A_156 = vector.load %arg10[%get3A_154, %get3A_155] : memref<384x64xf32, #tpu.memory_space<vmem>>, vector<64x64xf32>
    %dot_general3A_157 = arith.constant dense<0.000000e+00> : vector<1600x64xf32>
    %dot_general3A_158 = tpu.matmul %max3A_46, %get3A_156, %dot_general3A_157 {dimension_numbers = #tpu.dot_dimension_numbers<[1], [0], [0], [1], [0, 0, 1, 1], [], []>, transpose_lhs_hint = false} : vector<1600x64xf32>, vector<64x64xf32>, vector<1600x64xf32> -> vector<1600x64xf32>
    %add3A_159 = arith.addf %dot_general3A_153, %dot_general3A_158 : vector<1600x64xf32>
    %get3A_160 = arith.constant 128 : index
    %get3A_161 = arith.constant 0 : index
    %get3A_162 = vector.load %arg10[%get3A_160, %get3A_161] : memref<384x64xf32, #tpu.memory_space<vmem>>, vector<64x64xf32>
    %dot_general3A_163 = arith.constant dense<0.000000e+00> : vector<1600x64xf32>
    %dot_general3A_164 = tpu.matmul %slice3A_103, %get3A_162, %dot_general3A_163 {dimension_numbers = #tpu.dot_dimension_numbers<[1], [0], [0], [1], [0, 0, 1, 1], [], []>, transpose_lhs_hint = false} : vector<1600x64xf32>, vector<64x64xf32>, vector<1600x64xf32> -> vector<1600x64xf32>
    %add3A_165 = arith.addf %add3A_159, %dot_general3A_164 : vector<1600x64xf32>
    %get3A_166 = arith.constant 192 : index
    %get3A_167 = arith.constant 0 : index
    %get3A_168 = vector.load %arg10[%get3A_166, %get3A_167] : memref<384x64xf32, #tpu.memory_space<vmem>>, vector<192x64xf32>
    %dot_general3A_169 = arith.constant dense<0.000000e+00> : vector<1600x64xf32>
    %dot_general3A_170 = tpu.matmul %sqrt3A_148, %get3A_168, %dot_general3A_169 {dimension_numbers = #tpu.dot_dimension_numbers<[1], [0], [0], [1], [0, 0, 1, 1], [], []>, transpose_lhs_hint = false} : vector<1600x192xf32>, vector<192x64xf32>, vector<1600x64xf32> -> vector<1600x64xf32>
    %add3A_171 = arith.addf %add3A_165, %dot_general3A_170 : vector<1600x64xf32>
    %get3A_172 = arith.constant 0 : index
    %get3A_173 = arith.constant 0 : index
    %get3A_174 = vector.load %arg11[%get3A_172, %get3A_173] : memref<1x64xf32, #tpu.memory_space<vmem>>, vector<1x64xf32>
    %add3A_175 = vector.broadcast %get3A_174 : vector<1x64xf32> to vector<1600x64xf32>
    %add3A_176 = arith.addf %add3A_171, %add3A_175 : vector<1600x64xf32>
    %get3A_177 = arith.constant 0 : index
    %get3A_178 = arith.constant 0 : index
    %get3A_179 = vector.load %arg12[%get3A_177, %get3A_178] : memref<192x64xf32, #tpu.memory_space<vmem>>, vector<192x64xf32>
    %dot_general3A_180 = arith.constant dense<0.000000e+00> : vector<1600x64xf32>
    %dot_general3A_181 = tpu.matmul %add3A_123, %get3A_179, %dot_general3A_180 {dimension_numbers = #tpu.dot_dimension_numbers<[1], [0], [0], [1], [0, 0, 1, 1], [], []>, transpose_lhs_hint = false} : vector<1600x192xf32>, vector<192x64xf32>, vector<1600x64xf32> -> vector<1600x64xf32>
    %get3A_182 = arith.constant 0 : index
    %get3A_183 = arith.constant 0 : index
    %get3A_184 = vector.load %arg12[%get3A_182, %get3A_183] : memref<192x64xf32, #tpu.memory_space<vmem>>, vector<192x64xf32>
    %dot_general3A_185 = arith.constant dense<0.000000e+00> : vector<1600x64xf32>
    %dot_general3A_186 = tpu.matmul %add3A_131, %get3A_184, %dot_general3A_185 {dimension_numbers = #tpu.dot_dimension_numbers<[1], [0], [0], [1], [0, 0, 1, 1], [], []>, transpose_lhs_hint = false} : vector<1600x192xf32>, vector<192x64xf32>, vector<1600x64xf32> -> vector<1600x64xf32>
    %get3A_187 = arith.constant 0 : index
    %get3A_188 = arith.constant 0 : index
    %get3A_189 = vector.load %arg12[%get3A_187, %get3A_188] : memref<192x64xf32, #tpu.memory_space<vmem>>, vector<192x64xf32>
    %dot_general3A_190 = arith.constant dense<0.000000e+00> : vector<1600x64xf32>
    %dot_general3A_191 = tpu.matmul %add3A_139, %get3A_189, %dot_general3A_190 {dimension_numbers = #tpu.dot_dimension_numbers<[1], [0], [0], [1], [0, 0, 1, 1], [], []>, transpose_lhs_hint = false} : vector<1600x192xf32>, vector<192x64xf32>, vector<1600x64xf32> -> vector<1600x64xf32>
    %mul3A_192 = arith.mulf %dot_general3A_181, %dot_general3A_181 : vector<1600x64xf32>
    %mul3A_193 = arith.mulf %dot_general3A_186, %dot_general3A_186 : vector<1600x64xf32>
    %add3A_194 = arith.addf %mul3A_192, %mul3A_193 : vector<1600x64xf32>
    %mul3A_195 = arith.mulf %dot_general3A_191, %dot_general3A_191 : vector<1600x64xf32>
    %add3A_196 = arith.addf %add3A_194, %mul3A_195 : vector<1600x64xf32>
    %max3A_197 = arith.constant 9.99999993E-9 : f32
    %max3A_198 = vector.broadcast %max3A_197 : f32 to vector<1600x64xf32>
    %max3A_199 = arith.maximumf %add3A_196, %max3A_198 : vector<1600x64xf32>
    %sqrt3A_200 = math.sqrt %max3A_199 : vector<1600x64xf32>
    %logistic3A_201 = arith.negf %sqrt3A_200 : vector<1600x64xf32>
    %logistic3A_202 = math.exp %logistic3A_201 : vector<1600x64xf32>
    %logistic3A_203 = arith.constant 1.000000e+00 : f32
    %logistic3A_204 = vector.broadcast %logistic3A_203 : f32 to vector<1600x64xf32>
    %logistic3A_205 = arith.addf %logistic3A_204, %logistic3A_202 : vector<1600x64xf32>
    %logistic3A_206 = arith.divf %logistic3A_204, %logistic3A_205 : vector<1600x64xf32>
    %mul3A_207 = arith.mulf %dot_general3A_181, %logistic3A_206 : vector<1600x64xf32>
    %mul3A_208 = arith.mulf %dot_general3A_186, %logistic3A_206 : vector<1600x64xf32>
    %mul3A_209 = arith.mulf %dot_general3A_191, %logistic3A_206 : vector<1600x64xf32>
    %max3A_210 = arith.constant 0.000000e+00 : f32
    %max3A_211 = vector.broadcast %max3A_210 : f32 to vector<1600x64xf32>
    %max3A_212 = arith.maximumf %add3A_176, %max3A_211 : vector<1600x64xf32>
    %get3A_213 = arith.constant 0 : index
    %get3A_214 = arith.constant 0 : index
    %get3A_215 = vector.load %arg13[%get3A_213, %get3A_214] : memref<64x64xf32, #tpu.memory_space<vmem>>, vector<64x64xf32>
    %dot_general3A_216 = arith.constant dense<0.000000e+00> : vector<1600x64xf32>
    %dot_general3A_217 = tpu.matmul %mul3A_207, %get3A_215, %dot_general3A_216 {dimension_numbers = #tpu.dot_dimension_numbers<[1], [0], [0], [1], [0, 0, 1, 1], [], []>, transpose_lhs_hint = false} : vector<1600x64xf32>, vector<64x64xf32>, vector<1600x64xf32> -> vector<1600x64xf32>
    %get3A_218 = arith.constant 0 : index
    %get3A_219 = arith.constant 0 : index
    %get3A_220 = vector.load %arg13[%get3A_218, %get3A_219] : memref<64x64xf32, #tpu.memory_space<vmem>>, vector<64x64xf32>
    %dot_general3A_221 = arith.constant dense<0.000000e+00> : vector<1600x64xf32>
    %dot_general3A_222 = tpu.matmul %mul3A_208, %get3A_220, %dot_general3A_221 {dimension_numbers = #tpu.dot_dimension_numbers<[1], [0], [0], [1], [0, 0, 1, 1], [], []>, transpose_lhs_hint = false} : vector<1600x64xf32>, vector<64x64xf32>, vector<1600x64xf32> -> vector<1600x64xf32>
    %get3A_223 = arith.constant 0 : index
    %get3A_224 = arith.constant 0 : index
    %get3A_225 = vector.load %arg13[%get3A_223, %get3A_224] : memref<64x64xf32, #tpu.memory_space<vmem>>, vector<64x64xf32>
    %dot_general3A_226 = arith.constant dense<0.000000e+00> : vector<1600x64xf32>
    %dot_general3A_227 = tpu.matmul %mul3A_209, %get3A_225, %dot_general3A_226 {dimension_numbers = #tpu.dot_dimension_numbers<[1], [0], [0], [1], [0, 0, 1, 1], [], []>, transpose_lhs_hint = false} : vector<1600x64xf32>, vector<64x64xf32>, vector<1600x64xf32> -> vector<1600x64xf32>
    %mul3A_228 = arith.mulf %dot_general3A_217, %dot_general3A_217 : vector<1600x64xf32>
    %mul3A_229 = arith.mulf %dot_general3A_222, %dot_general3A_222 : vector<1600x64xf32>
    %add3A_230 = arith.addf %mul3A_228, %mul3A_229 : vector<1600x64xf32>
    %mul3A_231 = arith.mulf %dot_general3A_227, %dot_general3A_227 : vector<1600x64xf32>
    %add3A_232 = arith.addf %add3A_230, %mul3A_231 : vector<1600x64xf32>
    %max3A_233 = arith.constant 9.99999993E-9 : f32
    %max3A_234 = vector.broadcast %max3A_233 : f32 to vector<1600x64xf32>
    %max3A_235 = arith.maximumf %add3A_232, %max3A_234 : vector<1600x64xf32>
    %sqrt3A_236 = math.sqrt %max3A_235 : vector<1600x64xf32>
    %get3A_237 = arith.constant 0 : index
    %get3A_238 = arith.constant 0 : index
    %get3A_239 = vector.load %arg14[%get3A_237, %get3A_238] : memref<128x64xf32, #tpu.memory_space<vmem>>, vector<64x64xf32>
    %dot_general3A_240 = arith.constant dense<0.000000e+00> : vector<1600x64xf32>
    %dot_general3A_241 = tpu.matmul %max3A_212, %get3A_239, %dot_general3A_240 {dimension_numbers = #tpu.dot_dimension_numbers<[1], [0], [0], [1], [0, 0, 1, 1], [], []>, transpose_lhs_hint = false} : vector<1600x64xf32>, vector<64x64xf32>, vector<1600x64xf32> -> vector<1600x64xf32>
    %get3A_242 = arith.constant 64 : index
    %get3A_243 = arith.constant 0 : index
    %get3A_244 = vector.load %arg14[%get3A_242, %get3A_243] : memref<128x64xf32, #tpu.memory_space<vmem>>, vector<64x64xf32>
    %dot_general3A_245 = arith.constant dense<0.000000e+00> : vector<1600x64xf32>
    %dot_general3A_246 = tpu.matmul %sqrt3A_236, %get3A_244, %dot_general3A_245 {dimension_numbers = #tpu.dot_dimension_numbers<[1], [0], [0], [1], [0, 0, 1, 1], [], []>, transpose_lhs_hint = false} : vector<1600x64xf32>, vector<64x64xf32>, vector<1600x64xf32> -> vector<1600x64xf32>
    %add3A_247 = arith.addf %dot_general3A_241, %dot_general3A_246 : vector<1600x64xf32>
    %get3A_248 = arith.constant 0 : index
    %get3A_249 = arith.constant 0 : index
    %get3A_250 = vector.load %arg15[%get3A_248, %get3A_249] : memref<1x64xf32, #tpu.memory_space<vmem>>, vector<1x64xf32>
    %add3A_251 = vector.broadcast %get3A_250 : vector<1x64xf32> to vector<1600x64xf32>
    %add3A_252 = arith.addf %add3A_247, %add3A_251 : vector<1600x64xf32>
    %get3A_253 = arith.constant 0 : index
    %get3A_254 = arith.constant 0 : index
    %get3A_255 = vector.load %arg16[%get3A_253, %get3A_254] : memref<64x64xf32, #tpu.memory_space<vmem>>, vector<64x64xf32>
    %dot_general3A_256 = arith.constant dense<0.000000e+00> : vector<1600x64xf32>
    %dot_general3A_257 = tpu.matmul %dot_general3A_217, %get3A_255, %dot_general3A_256 {dimension_numbers = #tpu.dot_dimension_numbers<[1], [0], [0], [1], [0, 0, 1, 1], [], []>, transpose_lhs_hint = false} : vector<1600x64xf32>, vector<64x64xf32>, vector<1600x64xf32> -> vector<1600x64xf32>
    %get3A_258 = arith.constant 0 : index
    %get3A_259 = arith.constant 0 : index
    %get3A_260 = vector.load %arg16[%get3A_258, %get3A_259] : memref<64x64xf32, #tpu.memory_space<vmem>>, vector<64x64xf32>
    %dot_general3A_261 = arith.constant dense<0.000000e+00> : vector<1600x64xf32>
    %dot_general3A_262 = tpu.matmul %dot_general3A_222, %get3A_260, %dot_general3A_261 {dimension_numbers = #tpu.dot_dimension_numbers<[1], [0], [0], [1], [0, 0, 1, 1], [], []>, transpose_lhs_hint = false} : vector<1600x64xf32>, vector<64x64xf32>, vector<1600x64xf32> -> vector<1600x64xf32>
    %get3A_263 = arith.constant 0 : index
    %get3A_264 = arith.constant 0 : index
    %get3A_265 = vector.load %arg16[%get3A_263, %get3A_264] : memref<64x64xf32, #tpu.memory_space<vmem>>, vector<64x64xf32>
    %dot_general3A_266 = arith.constant dense<0.000000e+00> : vector<1600x64xf32>
    %dot_general3A_267 = tpu.matmul %dot_general3A_227, %get3A_265, %dot_general3A_266 {dimension_numbers = #tpu.dot_dimension_numbers<[1], [0], [0], [1], [0, 0, 1, 1], [], []>, transpose_lhs_hint = false} : vector<1600x64xf32>, vector<64x64xf32>, vector<1600x64xf32> -> vector<1600x64xf32>
    %mul3A_268 = arith.mulf %dot_general3A_257, %dot_general3A_257 : vector<1600x64xf32>
    %mul3A_269 = arith.mulf %dot_general3A_262, %dot_general3A_262 : vector<1600x64xf32>
    %add3A_270 = arith.addf %mul3A_268, %mul3A_269 : vector<1600x64xf32>
    %mul3A_271 = arith.mulf %dot_general3A_267, %dot_general3A_267 : vector<1600x64xf32>
    %add3A_272 = arith.addf %add3A_270, %mul3A_271 : vector<1600x64xf32>
    %max3A_273 = arith.constant 9.99999993E-9 : f32
    %max3A_274 = vector.broadcast %max3A_273 : f32 to vector<1600x64xf32>
    %max3A_275 = arith.maximumf %add3A_272, %max3A_274 : vector<1600x64xf32>
    %sqrt3A_276 = math.sqrt %max3A_275 : vector<1600x64xf32>
    %logistic3A_277 = arith.negf %sqrt3A_276 : vector<1600x64xf32>
    %logistic3A_278 = math.exp %logistic3A_277 : vector<1600x64xf32>
    %logistic3A_279 = arith.constant 1.000000e+00 : f32
    %logistic3A_280 = vector.broadcast %logistic3A_279 : f32 to vector<1600x64xf32>
    %logistic3A_281 = arith.addf %logistic3A_280, %logistic3A_278 : vector<1600x64xf32>
    %logistic3A_282 = arith.divf %logistic3A_280, %logistic3A_281 : vector<1600x64xf32>
    %mul3A_283 = arith.mulf %dot_general3A_257, %logistic3A_282 : vector<1600x64xf32>
    %mul3A_284 = arith.mulf %dot_general3A_262, %logistic3A_282 : vector<1600x64xf32>
    %mul3A_285 = arith.mulf %dot_general3A_267, %logistic3A_282 : vector<1600x64xf32>
    %max3A_286 = arith.constant 0.000000e+00 : f32
    %max3A_287 = vector.broadcast %max3A_286 : f32 to vector<1600x64xf32>
    %max3A_288 = arith.maximumf %add3A_252, %max3A_287 : vector<1600x64xf32>
    %get3A_289 = arith.constant 0 : index
    %get3A_290 = arith.constant 0 : index
    %get3A_291 = vector.load %arg17[%get3A_289, %get3A_290] : memref<64x64xf32, #tpu.memory_space<vmem>>, vector<64x64xf32>
    %dot_general3A_292 = arith.constant dense<0.000000e+00> : vector<1600x64xf32>
    %dot_general3A_293 = tpu.matmul %mul3A_283, %get3A_291, %dot_general3A_292 {dimension_numbers = #tpu.dot_dimension_numbers<[1], [0], [0], [1], [0, 0, 1, 1], [], []>, transpose_lhs_hint = false} : vector<1600x64xf32>, vector<64x64xf32>, vector<1600x64xf32> -> vector<1600x64xf32>
    %get3A_294 = arith.constant 0 : index
    %get3A_295 = arith.constant 0 : index
    %get3A_296 = vector.load %arg17[%get3A_294, %get3A_295] : memref<64x64xf32, #tpu.memory_space<vmem>>, vector<64x64xf32>
    %dot_general3A_297 = arith.constant dense<0.000000e+00> : vector<1600x64xf32>
    %dot_general3A_298 = tpu.matmul %mul3A_284, %get3A_296, %dot_general3A_297 {dimension_numbers = #tpu.dot_dimension_numbers<[1], [0], [0], [1], [0, 0, 1, 1], [], []>, transpose_lhs_hint = false} : vector<1600x64xf32>, vector<64x64xf32>, vector<1600x64xf32> -> vector<1600x64xf32>
    %get3A_299 = arith.constant 0 : index
    %get3A_300 = arith.constant 0 : index
    %get3A_301 = vector.load %arg17[%get3A_299, %get3A_300] : memref<64x64xf32, #tpu.memory_space<vmem>>, vector<64x64xf32>
    %dot_general3A_302 = arith.constant dense<0.000000e+00> : vector<1600x64xf32>
    %dot_general3A_303 = tpu.matmul %mul3A_285, %get3A_301, %dot_general3A_302 {dimension_numbers = #tpu.dot_dimension_numbers<[1], [0], [0], [1], [0, 0, 1, 1], [], []>, transpose_lhs_hint = false} : vector<1600x64xf32>, vector<64x64xf32>, vector<1600x64xf32> -> vector<1600x64xf32>
    %mul3A_304 = arith.mulf %dot_general3A_293, %dot_general3A_293 : vector<1600x64xf32>
    %mul3A_305 = arith.mulf %dot_general3A_298, %dot_general3A_298 : vector<1600x64xf32>
    %add3A_306 = arith.addf %mul3A_304, %mul3A_305 : vector<1600x64xf32>
    %mul3A_307 = arith.mulf %dot_general3A_303, %dot_general3A_303 : vector<1600x64xf32>
    %add3A_308 = arith.addf %add3A_306, %mul3A_307 : vector<1600x64xf32>
    %max3A_309 = arith.constant 9.99999993E-9 : f32
    %max3A_310 = vector.broadcast %max3A_309 : f32 to vector<1600x64xf32>
    %max3A_311 = arith.maximumf %add3A_308, %max3A_310 : vector<1600x64xf32>
    %sqrt3A_312 = math.sqrt %max3A_311 : vector<1600x64xf32>
    %get3A_313 = arith.constant 0 : index
    %get3A_314 = arith.constant 0 : index
    %get3A_315 = vector.load %arg18[%get3A_313, %get3A_314] : memref<128x64xf32, #tpu.memory_space<vmem>>, vector<64x64xf32>
    %dot_general3A_316 = arith.constant dense<0.000000e+00> : vector<1600x64xf32>
    %dot_general3A_317 = tpu.matmul %max3A_288, %get3A_315, %dot_general3A_316 {dimension_numbers = #tpu.dot_dimension_numbers<[1], [0], [0], [1], [0, 0, 1, 1], [], []>, transpose_lhs_hint = false} : vector<1600x64xf32>, vector<64x64xf32>, vector<1600x64xf32> -> vector<1600x64xf32>
    %get3A_318 = arith.constant 64 : index
    %get3A_319 = arith.constant 0 : index
    %get3A_320 = vector.load %arg18[%get3A_318, %get3A_319] : memref<128x64xf32, #tpu.memory_space<vmem>>, vector<64x64xf32>
    %dot_general3A_321 = arith.constant dense<0.000000e+00> : vector<1600x64xf32>
    %dot_general3A_322 = tpu.matmul %sqrt3A_312, %get3A_320, %dot_general3A_321 {dimension_numbers = #tpu.dot_dimension_numbers<[1], [0], [0], [1], [0, 0, 1, 1], [], []>, transpose_lhs_hint = false} : vector<1600x64xf32>, vector<64x64xf32>, vector<1600x64xf32> -> vector<1600x64xf32>
    %add3A_323 = arith.addf %dot_general3A_317, %dot_general3A_322 : vector<1600x64xf32>
    %get3A_324 = arith.constant 0 : index
    %get3A_325 = arith.constant 0 : index
    %get3A_326 = vector.load %arg19[%get3A_324, %get3A_325] : memref<1x64xf32, #tpu.memory_space<vmem>>, vector<1x64xf32>
    %add3A_327 = vector.broadcast %get3A_326 : vector<1x64xf32> to vector<1600x64xf32>
    %add3A_328 = arith.addf %add3A_323, %add3A_327 : vector<1600x64xf32>
    %get3A_329 = arith.constant 0 : index
    %get3A_330 = arith.constant 0 : index
    %get3A_331 = vector.load %arg20[%get3A_329, %get3A_330] : memref<64x64xf32, #tpu.memory_space<vmem>>, vector<64x64xf32>
    %dot_general3A_332 = arith.constant dense<0.000000e+00> : vector<1600x64xf32>
    %dot_general3A_333 = tpu.matmul %dot_general3A_293, %get3A_331, %dot_general3A_332 {dimension_numbers = #tpu.dot_dimension_numbers<[1], [0], [0], [1], [0, 0, 1, 1], [], []>, transpose_lhs_hint = false} : vector<1600x64xf32>, vector<64x64xf32>, vector<1600x64xf32> -> vector<1600x64xf32>
    %get3A_334 = arith.constant 0 : index
    %get3A_335 = arith.constant 0 : index
    %get3A_336 = vector.load %arg20[%get3A_334, %get3A_335] : memref<64x64xf32, #tpu.memory_space<vmem>>, vector<64x64xf32>
    %dot_general3A_337 = arith.constant dense<0.000000e+00> : vector<1600x64xf32>
    %dot_general3A_338 = tpu.matmul %dot_general3A_298, %get3A_336, %dot_general3A_337 {dimension_numbers = #tpu.dot_dimension_numbers<[1], [0], [0], [1], [0, 0, 1, 1], [], []>, transpose_lhs_hint = false} : vector<1600x64xf32>, vector<64x64xf32>, vector<1600x64xf32> -> vector<1600x64xf32>
    %get3A_339 = arith.constant 0 : index
    %get3A_340 = arith.constant 0 : index
    %get3A_341 = vector.load %arg20[%get3A_339, %get3A_340] : memref<64x64xf32, #tpu.memory_space<vmem>>, vector<64x64xf32>
    %dot_general3A_342 = arith.constant dense<0.000000e+00> : vector<1600x64xf32>
    %dot_general3A_343 = tpu.matmul %dot_general3A_303, %get3A_341, %dot_general3A_342 {dimension_numbers = #tpu.dot_dimension_numbers<[1], [0], [0], [1], [0, 0, 1, 1], [], []>, transpose_lhs_hint = false} : vector<1600x64xf32>, vector<64x64xf32>, vector<1600x64xf32> -> vector<1600x64xf32>
    %swap3A = arith.constant 0 : index
    %swap3A_344 = arith.constant 0 : index
    %swap3A_345 = arith.constant 0 : index
    %swap3A_346 = vector.load %arg21[%swap3A, %swap3A_344, %swap3A_345] : memref<2x1600x128xf32, #tpu.memory_space<vmem>>, vector<1x1600x64xf32>
    %swap3A_347 = vector.shape_cast %swap3A_346 : vector<1x1600x64xf32> to vector<1600x64xf32>
    %swap3A_348 = vector.shape_cast %add3A_328 : vector<1600x64xf32> to vector<1x1600x64xf32>
    tpu.vector_store %arg21[%swap3A, %swap3A_344, %swap3A_345], %swap3A_348 {strides = array<i32>} : memref<2x1600x128xf32, #tpu.memory_space<vmem>>, vector<1x1600x64xf32>,
    %swap3A_349 = arith.constant 0 : index
    %swap3A_350 = arith.constant 0 : index
    %swap3A_351 = arith.constant 64 : index
    %swap3A_352 = vector.load %arg21[%swap3A_349, %swap3A_350, %swap3A_351] : memref<2x1600x128xf32, #tpu.memory_space<vmem>>, vector<1x1600x64xf32>
    %swap3A_353 = vector.shape_cast %swap3A_352 : vector<1x1600x64xf32> to vector<1600x64xf32>
    %swap3A_354 = vector.shape_cast %dot_general3A_333 : vector<1600x64xf32> to vector<1x1600x64xf32>
    tpu.vector_store %arg21[%swap3A_349, %swap3A_350, %swap3A_351], %swap3A_354 {strides = array<i32>} : memref<2x1600x128xf32, #tpu.memory_space<vmem>>, vector<1x1600x64xf32>,
    %swap3A_355 = arith.constant 1 : index
    %swap3A_356 = arith.constant 0 : index
    %swap3A_357 = arith.constant 0 : index
    %swap3A_358 = vector.load %arg21[%swap3A_355, %swap3A_356, %swap3A_357] : memref<2x1600x128xf32, #tpu.memory_space<vmem>>, vector<1x1600x64xf32>
    %swap3A_359 = vector.shape_cast %swap3A_358 : vector<1x1600x64xf32> to vector<1600x64xf32>
    %swap3A_360 = vector.shape_cast %dot_general3A_338 : vector<1600x64xf32> to vector<1x1600x64xf32>
    tpu.vector_store %arg21[%swap3A_355, %swap3A_356, %swap3A_357], %swap3A_360 {strides = array<i32>} : memref<2x1600x128xf32, #tpu.memory_space<vmem>>, vector<1x1600x64xf32>,
    %swap3A_361 = arith.constant 1 : index
    %swap3A_362 = arith.constant 0 : index
    %swap3A_363 = arith.constant 64 : index
    %swap3A_364 = vector.load %arg21[%swap3A_361, %swap3A_362, %swap3A_363] : memref<2x1600x128xf32, #tpu.memory_space<vmem>>, vector<1x1600x64xf32>
    %swap3A_365 = vector.shape_cast %swap3A_364 : vector<1x1600x64xf32> to vector<1600x64xf32>
    %swap3A_366 = vector.shape_cast %dot_general3A_343 : vector<1600x64xf32> to vector<1x1600x64xf32>
    tpu.vector_store %arg21[%swap3A_361, %swap3A_362, %swap3A_363], %swap3A_366 {strides = array<i32>} : memref<2x1600x128xf32, #tpu.memory_space<vmem>>, vector<1x1600x64xf32>,
    return
  }
  func.func @transform_0(%arg0: i32) -> (i32, i32) {
    %add3A = arith.constant 0 : i32
    %add3A_0 = arith.addi %arg0, %add3A : i32
    %c0_i32 = arith.constant 0 : i32
    %c0_i32_1 = arith.constant 0 : i32
    return %add3A_0, %c0_i32 : i32, i32
  }
  func.func @transform_1(%arg0: i32) -> (i32, i32) {
    %add3A = arith.constant 100 : i32
    %add3A_0 = arith.addi %arg0, %add3A : i32
    %c0_i32 = arith.constant 0 : i32
    %c0_i32_1 = arith.constant 0 : i32
    return %add3A_0, %c0_i32 : i32, i32
  }
  func.func @transform_2(%arg0: i32) -> (i32, i32) {
    %c0_i32 = arith.constant 0 : i32
    %c0_i32_0 = arith.constant 0 : i32
    return %arg0, %c0_i32 : i32, i32
  }
  func.func @transform_3(%arg0: i32) -> (i32, i32) {
    %c0_i32 = arith.constant 0 : i32
    %c0_i32_0 = arith.constant 0 : i32
    %c0_i32_1 = arith.constant 0 : i32
    return %c0_i32, %c0_i32_0 : i32, i32
  }
  func.func @transform_4(%arg0: i32) -> (i32, i32) {
    %c0_i32 = arith.constant 0 : i32
    %c0_i32_0 = arith.constant 0 : i32
    %c0_i32_1 = arith.constant 0 : i32
    return %c0_i32, %c0_i32_0 : i32, i32
  }
  func.func @transform_5(%arg0: i32) -> (i32, i32) {
    %c0_i32 = arith.constant 0 : i32
    %c0_i32_0 = arith.constant 0 : i32
    %c0_i32_1 = arith.constant 0 : i32
    return %c0_i32, %c0_i32_0 : i32, i32
  }
  func.func @transform_6(%arg0: i32) -> (i32, i32) {
    %c0_i32 = arith.constant 0 : i32
    %c0_i32_0 = arith.constant 0 : i32
    %c0_i32_1 = arith.constant 0 : i32
    return %c0_i32, %c0_i32_0 : i32, i32
  }
  func.func @transform_7(%arg0: i32) -> (i32, i32) {
    %c0_i32 = arith.constant 0 : i32
    %c0_i32_0 = arith.constant 0 : i32
    %c0_i32_1 = arith.constant 0 : i32
    return %c0_i32, %c0_i32_0 : i32, i32
  }
  func.func @transform_8(%arg0: i32) -> (i32, i32) {
    %c0_i32 = arith.constant 0 : i32
    %c0_i32_0 = arith.constant 0 : i32
    %c0_i32_1 = arith.constant 0 : i32
    return %c0_i32, %c0_i32_0 : i32, i32
  }
  func.func @transform_9(%arg0: i32) -> (i32, i32) {
    %c0_i32 = arith.constant 0 : i32
    %c0_i32_0 = arith.constant 0 : i32
    %c0_i32_1 = arith.constant 0 : i32
    return %c0_i32, %c0_i32_0 : i32, i32
  }
  func.func @transform_10(%arg0: i32) -> (i32, i32) {
    %c0_i32 = arith.constant 0 : i32
    %c0_i32_0 = arith.constant 0 : i32
    %c0_i32_1 = arith.constant 0 : i32
    return %c0_i32, %c0_i32_0 : i32, i32
  }
  func.func @transform_11(%arg0: i32) -> (i32, i32) {
    %c0_i32 = arith.constant 0 : i32
    %c0_i32_0 = arith.constant 0 : i32
    %c0_i32_1 = arith.constant 0 : i32
    return %c0_i32, %c0_i32_0 : i32, i32
  }
  func.func @transform_12(%arg0: i32) -> (i32, i32) {
    %c0_i32 = arith.constant 0 : i32
    %c0_i32_0 = arith.constant 0 : i32
    %c0_i32_1 = arith.constant 0 : i32
    return %c0_i32, %c0_i32_0 : i32, i32
  }
  func.func @transform_13(%arg0: i32) -> (i32, i32) {
    %c0_i32 = arith.constant 0 : i32
    %c0_i32_0 = arith.constant 0 : i32
    %c0_i32_1 = arith.constant 0 : i32
    return %c0_i32, %c0_i32_0 : i32, i32
  }
  func.func @transform_14(%arg0: i32) -> (i32, i32) {
    %c0_i32 = arith.constant 0 : i32
    %c0_i32_0 = arith.constant 0 : i32
    %c0_i32_1 = arith.constant 0 : i32
    return %c0_i32, %c0_i32_0 : i32, i32
  }
  func.func @transform_15(%arg0: i32) -> (i32, i32) {
    %c0_i32 = arith.constant 0 : i32
    %c0_i32_0 = arith.constant 0 : i32
    %c0_i32_1 = arith.constant 0 : i32
    return %c0_i32, %c0_i32_0 : i32, i32
  }
  func.func @transform_16(%arg0: i32) -> (i32, i32) {
    %c0_i32 = arith.constant 0 : i32
    %c0_i32_0 = arith.constant 0 : i32
    %c0_i32_1 = arith.constant 0 : i32
    return %c0_i32, %c0_i32_0 : i32, i32
  }
  func.func @transform_17(%arg0: i32) -> (i32, i32) {
    %c0_i32 = arith.constant 0 : i32
    %c0_i32_0 = arith.constant 0 : i32
    %c0_i32_1 = arith.constant 0 : i32
    return %c0_i32, %c0_i32_0 : i32, i32
  }
  func.func @transform_18(%arg0: i32) -> (i32, i32) {
    %c0_i32 = arith.constant 0 : i32
    %c0_i32_0 = arith.constant 0 : i32
    %c0_i32_1 = arith.constant 0 : i32
    return %c0_i32, %c0_i32_0 : i32, i32
  }
  func.func @transform_19(%arg0: i32) -> (i32, i32) {
    %c0_i32 = arith.constant 0 : i32
    %c0_i32_0 = arith.constant 0 : i32
    %c0_i32_1 = arith.constant 0 : i32
    return %c0_i32, %c0_i32_0 : i32, i32
  }
  func.func @transform_20(%arg0: i32) -> (i32, i32, i32) {
    %c0_i32 = arith.constant 0 : i32
    %c0_i32_0 = arith.constant 0 : i32
    %c0_i32_1 = arith.constant 0 : i32
    return %c0_i32, %arg0, %c0_i32_0 : i32, i32, i32
  }
}

module attributes {stable_mosaic.version = 14 : i64} {
  func.func @_pool_kernel(%arg0: memref<10000x64xf32, #tpu.memory_space<vmem>>, %arg1: memref<10000x1xi32, #tpu.memory_space<vmem>>, %arg2: memref<32x64xf32, #tpu.memory_space<vmem>>, %arg3: memref<32x8xf32, #tpu.memory_space<vmem>>) attributes {dimension_semantics = [], scalar_prefetch = 0 : i64, scratch_operands = 0 : i64, tpu.core_type = #tpu.core_type<tc>} {
    %get3A = arith.constant 0 : index
    %get3A_0 = arith.constant 0 : index
    %get3A_1 = vector.load %arg1[%get3A, %get3A_0] : memref<10000x1xi32, #tpu.memory_space<vmem>>, vector<10000x1xi32>
    %iota3A = tpu.iota {dimensions = array<i32: 1>} : vector<1x32xi32>
    %eq3A = vector.broadcast %get3A_1 : vector<10000x1xi32> to vector<10000x32xi32>
    %eq3A_2 = vector.broadcast %iota3A : vector<1x32xi32> to vector<10000x32xi32>
    %eq3A_3 = arith.cmpi eq, %eq3A, %eq3A_2 : vector<10000x32xi32>
    %convert_element_type3A = arith.extui %eq3A_3 : vector<10000x32xi1> to vector<10000x32xi32>
    %convert_element_type3A_4 = arith.sitofp %convert_element_type3A : vector<10000x32xi32> to vector<10000x32xf32>
    %get3A_5 = arith.constant 0 : index
    %get3A_6 = arith.constant 0 : index
    %get3A_7 = vector.load %arg0[%get3A_5, %get3A_6] : memref<10000x64xf32, #tpu.memory_space<vmem>>, vector<10000x64xf32>
    %dot_general3A = arith.constant dense<0.000000e+00> : vector<32x64xf32>
    %dot_general3A_8 = tpu.matmul %convert_element_type3A_4, %get3A_7, %dot_general3A {dimension_numbers = #tpu.dot_dimension_numbers<[0], [0], [1], [1], [0, 1, 1, 1], [], []>, transpose_lhs_hint = false} : vector<10000x32xf32>, vector<10000x64xf32>, vector<32x64xf32> -> vector<32x64xf32>
    %swap3A = arith.constant 0 : index
    %swap3A_9 = arith.constant 0 : index
    %swap3A_10 = vector.load %arg2[%swap3A, %swap3A_9] : memref<32x64xf32, #tpu.memory_space<vmem>>, vector<32x64xf32>
    tpu.vector_store %arg2[%swap3A, %swap3A_9], %dot_general3A_8 {strides = array<i32>} : memref<32x64xf32, #tpu.memory_space<vmem>>, vector<32x64xf32>,
    %broadcast_in_dim3A = arith.constant 1.000000e+00 : f32
    %broadcast_in_dim3A_11 = vector.broadcast %broadcast_in_dim3A : f32 to vector<10000x8xf32>
    %dot_general3A_12 = arith.constant dense<0.000000e+00> : vector<32x8xf32>
    %dot_general3A_13 = tpu.matmul %convert_element_type3A_4, %broadcast_in_dim3A_11, %dot_general3A_12 {dimension_numbers = #tpu.dot_dimension_numbers<[0], [0], [1], [1], [0, 1, 1, 1], [], []>, transpose_lhs_hint = false} : vector<10000x32xf32>, vector<10000x8xf32>, vector<32x8xf32> -> vector<32x8xf32>
    %swap3A_14 = arith.constant 0 : index
    %swap3A_15 = arith.constant 0 : index
    %swap3A_16 = vector.load %arg3[%swap3A_14, %swap3A_15] : memref<32x8xf32, #tpu.memory_space<vmem>>, vector<32x8xf32>
    tpu.vector_store %arg3[%swap3A_14, %swap3A_15], %dot_general3A_13 {strides = array<i32>} : memref<32x8xf32, #tpu.memory_space<vmem>>, vector<32x8xf32>,
    return
  }
}

</mosaic_0001>

<sc_bundles>
// kernel: kernel.6.cloned.1.call-start
scs
__scs_entry_jumppad:
0x0: {  	(pc) =	sbr.rel $0x88, $3  }
0x1: {  	(tag) =	ssettag $0x0;
	lr =	simm.s32 $0x1  }
0x2: {  	[smem:$0x3F76] =	sst lr;
	_ =	strace $0xD0000000  }
0x3: {  	_ = 	snop  }
0x4: {  	_ = 	snop  }
0x5: {  	_ = 	snop  }
0x6: {  	_ = 	snop  }
0x7: {  	_ = 	snop  }
__scs_overlays_trampoline_lowered:
0x8: {  	[smem:$0x3F85] =	sst s0  }
0x9: {  	[smem:$0x3F86] =	sst s1  }
0xa: {  	[smem:$0x3F87] =	sst s2  }
0xb: {  	[smem:$0x3F88] =	sst s3  }
0xc: {  	[smem:$0x3F89] =	sst s4  }
0xd: {  	[smem:$0x3F8A] =	sst s5  }
0xe: {  	[smem:$0x3F8B] =	sst s6  }
0xf: {  	[smem:$0x3F8C] =	sst s7  }
0x10: {  	[smem:$0x3F8D] =	sst s8  }
0x11: {  	[smem:$0x3F8E] =	sst s9;
	s0 =	simm.s32 @!p0 $0x0  }
0x12: {  	s1 =	sld [smem:$0x3F74];
	s0 =	simm.s32 @p0 $0x1  }
0x13: {  	[smem:$0x3F8F] =	sst s0;
	s0 =	simm.s32 @!p1 $0x0  }
0x14: {  	s2 =	sld [smem:$0x3F73];
	s0 =	simm.s32 @p1 $0x1  }
0x15: {  	[smem:$0x3F90] =	sst s0;
	s0 =	simm.s32 @!p2 $0x0  }
0x16: {  	s3 =	sld [smem:$0x3FDB];
	s0 =	simm.s32 @p2 $0x1  }
0x17: {  	s4 =	simm.s32 $0x1BF5;
	[smem:$0x3F92] =	sst s0  }
0x18: {  	s0 =	sld [smem:$0x3F75];
	_ =	swait.ge [sflag:s4], $0x0  }
0x19: {  	s7 =	sld [smem:$0x3F76]  }
0x1a: {  	s8 =	sadd.s32 $0xFFFFE003, lr  }
0x1b: {  	s9 =	sadd.s32 $0xFFFFFEF7, lr;
	s5 =	simm.s32 $0xFFFFFFFF;
	p2 =	slt.u32 s8, $0xFFFFF086  }
0x1c: {  	p1 =	slt.u32 s9, $0xF7A;
	s5 =	simm.s32 @!p2 $0x0  }
0x1d: {  	s5 =	simm.s32 @p1 $0x1;
	p0 =	seq.s32 s7, s2  }
0x1e: {  	s7 =	smul.u32 @!p0 $0xF7A, s2;
	p2 =	seq.s32 @!p0 s5, $0x0  }
0x1f: {  	s9 =	smul.u32 $0xF7A, s1;
	s8 =	simm.s32 @!p0 $0x1BF5;
	p2 =	por !p2, p0  }
0x20: {  	[sflag:s8] =	ssyncset.s32 @!p0 $0xFFFFF086;
	s6 =	sadd.s32 @!p0 s3, s7;
	s7 =	simm.s32 @!p0 $0x108  }
0x21: {  	s3 =	sadd.s32 s3, s9;
	s6 =	sadd.s32 @!p0 $0x88, s6;
	s7 =	simm.s32 @p2 $0x1082  }
0x22: {  	[simem:s7], [sflag:s8] =	dma.local @!p0 [hbm:s6], $0xF7A  }
0x23: {  	s9 =	sor.u32 $0xD0000000, s2;
	s6 =	simm.s32 $0x108;
	_ =	swait.ge @!p0 [sflag:s8], $0x0  }
0x24: {  	s3 =	sadd.s32 $0x88, s3;
	s6 =	simm.s32 @!p1 $0x1082;
	[sflag:s4] =	ssyncset.s32 $0xFFFFF086  }
0x25: {  	[simem:s6], [sflag:s4] =	dma.local [hbm:s3], $0xF7A  }
0x26: {  	[smem:$0x3F76] =	sst s1;
	(tag) =	ssettag s2;
	_ =	strace s9  }
0x27: {  	s1 =	sld [smem:$0x3F86]  }
0x28: {  	s2 =	sld [smem:$0x3F87]  }
0x29: {  	s4 =	sld [smem:$0x3F89]  }
0x2a: {  	p0 =	seq.s32 s5, $0x0;
	s5 =	sld [smem:$0x3F8A]  }
0x2b: {  	s6 =	sld [smem:$0x3F8B]  }
0x2c: {  	s7 =	sld [smem:$0x3F8C]  }
0x2d: {  	s3 =	simm.s32 $0x108;
	s8 =	sld [smem:$0x3F8D]  }
0x2e: {  	s3 =	simm.s32 @!p0 $0x1082;
	s9 =	sld [smem:$0x3F8E]  }
0x2f: {  	lr =	sadd.s32 s0, s3;
	s0 =	sld [smem:$0x3F85]  }
0x30: {  	s3 =	sld [smem:$0x3F88]  }
0x31: {  	[smem:$0x3F91] =	sst s10  }
0x32: {  	s10 =	sld [smem:$0x3F8F];
	_ =	sdelay $0x3  }
0x33: {  	p0 =	seq.s32 s10, $0x1;
	s10 =	sld [smem:$0x3F91];
	_ =	sdelay $0x3  }
0x34: {  	[smem:$0x3F91] =	sst s10  }
0x35: {  	s10 =	sld [smem:$0x3F90];
	_ =	sdelay $0x3  }
0x36: {  	p1 =	seq.s32 s10, $0x1;
	s10 =	sld [smem:$0x3F91];
	_ =	sdelay $0x3  }
0x37: {  	[smem:$0x3F91] =	sst s10  }
0x38: {  	s10 =	sld [smem:$0x3F92]  }
0x39: {  	_ = 	snop;
	(pc) =	sbr.ind lr, $3  }
0x3a: {  	_ = 	snop  }
0x3b: {  	_ = 	snop  }
0x3c: {  	p2 =	seq.s32 s10, $0x1;
	s10 =	sld [smem:$0x3F91]  }
0x3d: {  	_ =	shalt  }
0x3e: {  	_ =	shalt  }
0x3f: {  	_ =	shalt  }
0x40: {  	_ =	shalt  }
0x41: {  	_ =	shalt  }
0x42: {  	_ =	shalt  }
0x43: {  	_ =	shalt  }
0x44: {  	_ =	shalt  }
0x45: {  	_ =	shalt  }
0x46: {  	_ =	shalt  }
0x47: {  	_ =	shalt  }
0x48: {  	_ =	shalt  }
0x49: {  	_ =	shalt  }
0x4a: {  	_ =	shalt  }
0x4b: {  	_ =	shalt  }
0x4c: {  	_ =	shalt  }
0x4d: {  	_ =	shalt  }
0x4e: {  	_ =	shalt  }
0x4f: {  	_ =	shalt  }
0x50: {  	_ =	shalt  }
0x51: {  	_ =	shalt  }
0x52: {  	_ =	shalt  }
0x53: {  	_ =	shalt  }
0x54: {  	_ =	shalt  }
0x55: {  	_ =	shalt  }
0x56: {  	_ =	shalt  }
0x57: {  	_ =	shalt  }
0x58: {  	_ =	shalt  }
0x59: {  	_ =	shalt  }
0x5a: {  	_ =	shalt  }
0x5b: {  	_ =	shalt  }
0x5c: {  	_ =	shalt  }
0x5d: {  	_ =	shalt  }
0x5e: {  	_ =	shalt  }
0x5f: {  	_ =	shalt  }
0x60: {  	_ =	shalt  }
0x61: {  	_ =	shalt  }
0x62: {  	_ =	shalt  }
0x63: {  	_ =	shalt  }
0x64: {  	_ =	shalt  }
0x65: {  	_ =	shalt  }
0x66: {  	_ =	shalt  }
0x67: {  	_ =	shalt  }
0x68: {  	_ =	shalt  }
0x69: {  	_ =	shalt  }
0x6a: {  	_ =	shalt  }
0x6b: {  	_ =	shalt  }
0x6c: {  	_ =	shalt  }
0x6d: {  	_ =	shalt  }
0x6e: {  	_ =	shalt  }
0x6f: {  	_ =	shalt  }
0x70: {  	_ =	shalt  }
0x71: {  	_ =	shalt  }
0x72: {  	_ =	shalt  }
0x73: {  	_ =	shalt  }
0x74: {  	_ =	shalt  }
0x75: {  	_ =	shalt  }
0x76: {  	_ =	shalt  }
0x77: {  	_ =	shalt  }
0x78: {  	_ =	shalt  }
0x79: {  	_ =	shalt  }
0x7a: {  	_ =	shalt  }
0x7b: {  	_ =	shalt  }
0x7c: {  	_ =	shalt  }
0x7d: {  	_ =	shalt  }
0x7e: {  	_ =	shalt  }
0x7f: {  	_ =	shalt  }
0x80: {  	_ =	shalt  }
0x81: {  	_ =	shalt  }
0x82: {  	_ =	shalt  }
0x83: {  	_ =	shalt  }
0x84: {  	_ =	shalt  }
0x85: {  	_ =	shalt  }
0x86: {  	_ =	shalt  }
0x87: {  	_ =	shalt  }
.Lfunc_end0:
.L_simem_size_0:
called_computation.1_lowered:
.L_overlay_start_0:
0x88: {  	s2 =	sld [smem:$0x3FD9]  }
0x89: {  	s3 =	sld [smem:$0x3FFE];
	_ =	sdelay $0x1  }
0x8a: {  	s1 =	srdreg.scid  }
0x8b: {  	s0 =	sand.u32 $0x1, s1  }
0x8c: {  	s16 =	sshll.u32 s0, $0xA;
	s2 =	sadd.s32 s3, s2  }
0x8d: {  	s2 =	sadd.s32 s2, s16  }
0x8e: {  	[smem:$0x3F9D] =	sst s2  }
0x8f: {  	_ = 	snop  }
0x90: {  	(tm) =	ssettm $0x1  }
0x91: {  	s17 =	sld [smem:$0x3FFB];
	_ =	sdelay $0x3  }
0x92: {  	_ =	strace s17  }
0x93: {  	s2 =	sld [smem:$0x3FFC];
	_ =	sdelay $0x3  }
0x94: {  	_ =	strace s2  }
0x95: {  	s2 =	sld [smem:$0x3FFD];
	_ =	sdelay $0x3  }
0x96: {  	_ =	strace s2  }
0x97: {  	_ =	strace $0x8FFFFFFF  }
0x98: {  	s18 =	sld [smem:$0x3FDB];
	_ =	sdelay $0x1  }
0x99: {  	s19 =	simm.s32 $_scs_section_size  }
0x9a: {  	s4 =	simm.s32 $_size__tile_overlayer_lowered;
	s5 =	simm.s32 $_tile_overlayer_lowered  }
0x9b: {  	s22 =	simm.s32 $0x1BFF;
	s21 =	sshll.u32 s5, $0x1;
	s2 =	sadd.s32 s19, s18  }
0x9c: {  	s6 =	simm.s32 $0x0;
	s20 =	sshll.u32 s4, $0x1;
	s4 =	sadd.s32 s21, s2  }
0x9d: {  	[timem:s6], [sflag:s22] =	dma.local [hbm:s4], s20  }
0x9e: {  	_ =	swait.ge [sflag:s22], s20  }
0x9f: {  	s3 =	ssub.s32 $0x0, s20;
	[sflag:s22] =	ssyncset.done $0x0  }
0xa0: {  	[sflag:s22] =	ssyncadd.s32 s3;
	_ =	sdelay $0x1  }
0xa1: {  	s23 =	simm.s32 $0x1B8B  }
0xa2: {  	_ =	swait.ge [sflag:s23], $0x1  }
0xa3: {  	[sflag:s23] =	ssyncset.done $0x0  }
0xa4: {  	s25 =	simm.s32 $0x1B8E;
	s24 =	sld [smem:$0x3FFE];
	[sflag:s23] =	ssyncadd.s32 $0xFFFFFFFF  }
0xa5: {  	s26 =	simm.s32 $execute0_lowered;
	[smem:$0x3FD2] =	sst s25  }
0xa6: {  	s4 =	sshll.u32 s26, $0x1;
	_ =	strace $0x80000046;
	[dreg:$0x1] =	wrdreg $0xFFFFFFFF  }
0xa7: {  	s28 =	simm.s32 $_size_execute0_lowered;
	s2 =	sadd.s32 s2, s4;
	[dreg:$0x0] =	wrdreg $0x0  }
0xa8: {  	s4 =	sshll.u32 s28, $0x1;
	[dreg:$0x2] =	wrdreg s2  }
0xa9: {  	[dreg:$0x3] =	wrdreg s4  }
0xaa: {  	[dreg:$0x4] =	wrdreg $0xC0  }
0xab: {  	_ =	task [dreg:s6], $0x5FFFF  }
0xac: {  	[dreg:$0x1] =	wrdreg $0xFFFFFFFF  }
0xad: {  	[dreg:$0x0] =	wrdreg $0x60  }
0xae: {  	[dreg:$0x2] =	wrdreg s24  }
0xaf: {  	[dreg:$0x3] =	wrdreg $0x9  }
0xb0: {  	_ =	task.clear_ibuf [dreg:s6], $0x4FFFF;
	_ =	strace $0x90000046  }
0xb1: {  	s29 =	simm.s32 $0x9;
	_ =	strace $0x80000048  }
0xb2: {  	_ =	swait.ge [sflag:s29], $0x1  }
0xb3: {  	[sflag:s29] =	ssyncadd.s32 $0xFFFFFFFF  }
0xb4: {  	_ =	strace $0x90000048  }
0xb5: {  	_ =	sfence  }
0xb6: {  	s30 =	sld [smem:$0x0];
	_ =	sdelay $0x2  }
0xb7: {  	s31 =	sshll.u32 s1, $0xD;
	s1 =	sshrl.u32 s1, $0x2  }
0xb8: {  	s3 =	sand.u32 $0x4000, s31;
	s1 =	sadd.s32 s1, s30  }
0xb9: {  	s0 =	sor.u32 s3, s0;
	s1 =	sshll.u32 s1, $0x11  }
0xba: {  	s0 =	sor.u32 s1, s0  }
0xbb: {  	s0 =	sadd.s32 $0x8F2B, s0  }
0xbc: {  	[sflag:s0] =	ssyncadd.remote.s32 $0x1  }
0xbd: {  	_ =	sfence.sel $0xFFFF  }
0xbe: {  	[dreg:$0x0] =	wrdreg $0xFFFFFFFF;
	(pc) =	sbr.abs _section_cstart, $3  }
0xbf: {  	[dreg:$0x1] =	wrdreg $0xFFFFFFFF  }
0xc0: {  	_ =	task.clear_ibuf [dreg:s6], $0x2FFFF;
	_ =	strace $0x9FFFFFFF  }
0xc1: {  	(tm) =	ssettm $0x7FFFFFFF  }
tec
execute0_lowered:
.L_overlay_start_1:
0x0: {  	(tag) =	ssettag $0x1  }
0x1: {  	s1 =	srdreg.scid  }
0x2: {  	s0 =	stileid.u32;
	s5 =	rddreg [dreg:$0x0]  }
0x3: {  	s2 =	simm.s32 $0x0;
	s9 =	simm.s32 $0x80;
	s10 =	simm.s32 $0x1  }
0x4: {  	s11 =	simm.s32 $0x0;
	s4 =	sand.u32 $0x1, s1;
	s1 =	rddreg [dreg:$0x1]  }
0x5: {  	s3 =	smul.u32 $0x9C, s0;
	s6 =	sshll.u32 s0, $0x1;
	[smem:$0x7FF] =	sst s2  }
0x6: {  	s7 =	smul.u32 $0x4E, s4;
	s6 =	sor.u32 s4, s6;
	s4 =	ssub.s32 $0x2, s4  }
0x7: {  	p0 =	slt.u32 s0, $0x2;
	_ =	strace $0x80000047;
	s8 =	sshrl.u32 s4, $0x1  }
0x8: {  	s6 =	smin.u32 s6, $0x4;
	s3 =	sadd.s32 s7, s3;
	s8 =	ssub.s32 s4, s8  }
0x9: {  	s4 =	simm.s32 $0x4F;
	s6 =	sadd.s32 s6, s3;
	s3 =	sadd.s32 $0xD1A00, s5  }
0xa: {  	s4 =	simm.s32 @!p0 $0x4E;
	s31 =	sshll.u32 s6, $0x4;
	s6 =	sshll.u32 s6, $0xB  }
0xb: {  	s7 =	sadd.s32 s31, s5;
	s6 =	sadd.s32 s6, s5;
	s5 =	smax.u32 s8, $0x1  }
0xc: {  	s8 =	simm.s32 $0x2;
	s6 =	sadd.s32 $0xF8C00, s6;
	s7 =	sadd.s32 $0xA0A00, s7  }
.LBB2_1:
0xd: {  	[tilespmem:s2], [sflag:$0x2] =	stream.linear.gather [hbm4b:s7+s2], $0x80, $0x38;
	[tilespmem:$0x4080] =	vst v63  }
0xe: {  	_ =	swait.ge [sflag:s8], $0x80  }
0xf: {  	[sflag:s8] =	ssyncset.done $0x0  }
0x10: {  	[sflag:s8] =	ssyncadd.s32 $0xFFFFFF80  }
0x11: {  	[tilespmem:s9], [sflag:$0x1] =	stream.indirect.gather [hbm4b:s3+s9], $0x80, s2, s9, $0xb8;
	[tilespmem:$0x4080] =	vst v63  }
0x12: {  	p0 =	sne.s32 s4, $0x1;
	_ =	swait.ge [sflag:s10], $0x4000  }
.Ltmp0:
0x13: {  	[sflag:s10] =	ssyncset.done $0x0;
	(pc) =	sbr.rel @!p0 .LBB2_3-.Ltmp0, $4  }
0x14: {  	[sflag:s10] =	ssyncadd.s32 $0xFFFFC000  }
0x15: {  	[hbm4b:s6+s2] =	stream.linear.scatter [tilespmem:s9], [sflag:$0x2], $0x4000, $0x38;
	[tilespmem:$0x4080] =	vst v63  }
0x16: {  	s12 =	sadd.s32 $0xFFFFFFFF, s4;
	_ =	swait.ge [sflag:s8], $0x4000  }
0x17: {  	s13 =	smov.u32 s6;
	s14 =	smov.u32 s7;
	[sflag:s8] =	ssyncset.done $0x0  }
.LBB2_2:
0x18: {  	[sflag:s8] =	ssyncadd.s32 $0xFFFFC000;
	s13 =	sadd.s32 $0x800, s13;
	s14 =	sadd.s32 $0x10, s14  }
0x19: {  	[tilespmem:s2], [sflag:$0x2] =	stream.linear.gather [hbm4b:s14+s2], $0x80, $0x38;
	[tilespmem:$0x4080] =	vst v63  }
0x1a: {  	p0 =	sne.s32 s12, $0x1;
	s12 =	sadd.s32 $0xFFFFFFFF, s12;
	_ =	swait.ge [sflag:s8], $0x80  }
0x1b: {  	[sflag:s8] =	ssyncset.done $0x0  }
0x1c: {  	[sflag:s8] =	ssyncadd.s32 $0xFFFFFF80  }
0x1d: {  	[tilespmem:s9], [sflag:$0x1] =	stream.indirect.gather [hbm4b:s3+s9], $0x80, s2, s9, $0xb8;
	[tilespmem:$0x4080] =	vst v63  }
0x1e: {  	_ =	swait.ge [sflag:s10], $0x4000  }
.Ltmp1:
0x1f: {  	[sflag:s10] =	ssyncset.done $0x0;
	(pc) =	sbr.rel @p0 .LBB2_2-.Ltmp1, $4  }
0x20: {  	[sflag:s10] =	ssyncadd.s32 $0xFFFFC000  }
0x21: {  	[hbm4b:s13+s2] =	stream.linear.scatter [tilespmem:s9], [sflag:$0x2], $0x4000, $0x38;
	[tilespmem:$0x4080] =	vst v63  }
0x22: {  	_ =	swait.ge [sflag:s8], $0x4000  }
0x23: {  	[sflag:s8] =	ssyncset.done $0x0  }
.LBB2_3:
0x24: {  	s11 =	sadd.s32 $0x1, s11  }
0x25: {  	p0 =	sne.s32 s11, s5  }
.Ltmp2:
0x26: {  	_ = 	snop;
	(pc) =	sbr.rel @p0 .LBB2_1-.Ltmp2, $2  }
0x27: {  	_ =	sdelay $0x2  }
0x28: {  	[sflag:s8] =	ssyncadd.s32 $0xFFFFC000  }
0x29: {  	_ =	sfence.sel $0x180000  }
0x2a: {  	[bflag:$0x0] =	sbarrier.arrive $0xFFFF  }
0x2b: {  	p0 =	sne.s32 s0, $0x0;
	_ =	strace $0x90000047  }
0x2c: {  	s0 =	sadd.s32 @!p0 $0x100000, s1;
	[bflag:$0x2] =	sbarrier.arrive $0xFFFF  }
0x2d: {  	[sflag:s0] =	ssyncadd.tile.s32 @!p0 $0x1;
	_ =	shalt  }
.Lfunc_end2:
_tile_overlayer_lowered:
.L_overlay_start_2:
0x2e: {  	(tag) =	ssettag $0x2  }
0x2f: {  	s0 =	rddreg [dreg:$0x0];
	s2 =	stileid.u32  }
0x30: {  	s1 =	rddreg [dreg:$0x1];
	p0 =	sne.s32 s2, $0x0  }
0x31: {  	s3 =	rddreg [dreg:$0x2];
	[bflag:$0x3] =	sbarrier.arrive $0xFFFF;
	s2 =	simm.s32 @!p0 $0x1C02  }
0x32: {  	[timem:s3], [sflag:s2] =	dma.local @!p0 [hbm:s0], s1  }
0x33: {  	s0 =	simm.s32 @!p0 $0x2  }
0x34: {  	_ =	swait.ge @!p0 [sflag:s0], s1  }
0x35: {  	s1 =	ssub.s32 @!p0 $0x0, s1;
	[sflag:s0] =	ssyncset.done @!p0 $0x0  }
0x36: {  	[sflag:s0] =	ssyncadd.s32 @!p0 s1  }
0x37: {  	[bflag:$0x3] =	sbarrier.arrive $0xFFFF  }
0x38: {  	_ =	shalt  }

// kernel: kernel.9.cloned.1.call-start
scs
__scs_entry_jumppad:
0x0: {  	(pc) =	sbr.rel $0x88, $3  }
0x1: {  	(tag) =	ssettag $0x0;
	lr =	simm.s32 $0x1  }
0x2: {  	[smem:$0x3F76] =	sst lr;
	_ =	strace $0xD0000000  }
0x3: {  	_ = 	snop  }
0x4: {  	_ = 	snop  }
0x5: {  	_ = 	snop  }
0x6: {  	_ = 	snop  }
0x7: {  	_ = 	snop  }
__scs_overlays_trampoline_lowered:
0x8: {  	[smem:$0x3F85] =	sst s0  }
0x9: {  	[smem:$0x3F86] =	sst s1  }
0xa: {  	[smem:$0x3F87] =	sst s2  }
0xb: {  	[smem:$0x3F88] =	sst s3  }
0xc: {  	[smem:$0x3F89] =	sst s4  }
0xd: {  	[smem:$0x3F8A] =	sst s5  }
0xe: {  	[smem:$0x3F8B] =	sst s6  }
0xf: {  	[smem:$0x3F8C] =	sst s7  }
0x10: {  	[smem:$0x3F8D] =	sst s8  }
0x11: {  	[smem:$0x3F8E] =	sst s9;
	s0 =	simm.s32 @!p0 $0x0  }
0x12: {  	s1 =	sld [smem:$0x3F74];
	s0 =	simm.s32 @p0 $0x1  }
0x13: {  	[smem:$0x3F8F] =	sst s0;
	s0 =	simm.s32 @!p1 $0x0  }
0x14: {  	s2 =	sld [smem:$0x3F73];
	s0 =	simm.s32 @p1 $0x1  }
0x15: {  	[smem:$0x3F90] =	sst s0;
	s0 =	simm.s32 @!p2 $0x0  }
0x16: {  	s3 =	sld [smem:$0x3FDB];
	s0 =	simm.s32 @p2 $0x1  }
0x17: {  	s4 =	simm.s32 $0x1BF5;
	[smem:$0x3F92] =	sst s0  }
0x18: {  	s0 =	sld [smem:$0x3F75];
	_ =	swait.ge [sflag:s4], $0x0  }
0x19: {  	s7 =	sld [smem:$0x3F76]  }
0x1a: {  	s8 =	sadd.s32 $0xFFFFE003, lr  }
0x1b: {  	s9 =	sadd.s32 $0xFFFFFEF7, lr;
	s5 =	simm.s32 $0xFFFFFFFF;
	p2 =	slt.u32 s8, $0xFFFFF086  }
0x1c: {  	p1 =	slt.u32 s9, $0xF7A;
	s5 =	simm.s32 @!p2 $0x0  }
0x1d: {  	s5 =	simm.s32 @p1 $0x1;
	p0 =	seq.s32 s7, s2  }
0x1e: {  	s7 =	smul.u32 @!p0 $0xF7A, s2;
	p2 =	seq.s32 @!p0 s5, $0x0  }
0x1f: {  	s9 =	smul.u32 $0xF7A, s1;
	s8 =	simm.s32 @!p0 $0x1BF5;
	p2 =	por !p2, p0  }
0x20: {  	[sflag:s8] =	ssyncset.s32 @!p0 $0xFFFFF086;
	s6 =	sadd.s32 @!p0 s3, s7;
	s7 =	simm.s32 @!p0 $0x108  }
0x21: {  	s3 =	sadd.s32 s3, s9;
	s6 =	sadd.s32 @!p0 $0x88, s6;
	s7 =	simm.s32 @p2 $0x1082  }
0x22: {  	[simem:s7], [sflag:s8] =	dma.local @!p0 [hbm:s6], $0xF7A  }
0x23: {  	s9 =	sor.u32 $0xD0000000, s2;
	s6 =	simm.s32 $0x108;
	_ =	swait.ge @!p0 [sflag:s8], $0x0  }
0x24: {  	s3 =	sadd.s32 $0x88, s3;
	s6 =	simm.s32 @!p1 $0x1082;
	[sflag:s4] =	ssyncset.s32 $0xFFFFF086  }
0x25: {  	[simem:s6], [sflag:s4] =	dma.local [hbm:s3], $0xF7A  }
0x26: {  	[smem:$0x3F76] =	sst s1;
	(tag) =	ssettag s2;
	_ =	strace s9  }
0x27: {  	s1 =	sld [smem:$0x3F86]  }
0x28: {  	s2 =	sld [smem:$0x3F87]  }
0x29: {  	s4 =	sld [smem:$0x3F89]  }
0x2a: {  	p0 =	seq.s32 s5, $0x0;
	s5 =	sld [smem:$0x3F8A]  }
0x2b: {  	s6 =	sld [smem:$0x3F8B]  }
0x2c: {  	s7 =	sld [smem:$0x3F8C]  }
0x2d: {  	s3 =	simm.s32 $0x108;
	s8 =	sld [smem:$0x3F8D]  }
0x2e: {  	s3 =	simm.s32 @!p0 $0x1082;
	s9 =	sld [smem:$0x3F8E]  }
0x2f: {  	lr =	sadd.s32 s0, s3;
	s0 =	sld [smem:$0x3F85]  }
0x30: {  	s3 =	sld [smem:$0x3F88]  }
0x31: {  	[smem:$0x3F91] =	sst s10  }
0x32: {  	s10 =	sld [smem:$0x3F8F];
	_ =	sdelay $0x3  }
0x33: {  	p0 =	seq.s32 s10, $0x1;
	s10 =	sld [smem:$0x3F91];
	_ =	sdelay $0x3  }
0x34: {  	[smem:$0x3F91] =	sst s10  }
0x35: {  	s10 =	sld [smem:$0x3F90];
	_ =	sdelay $0x3  }
0x36: {  	p1 =	seq.s32 s10, $0x1;
	s10 =	sld [smem:$0x3F91];
	_ =	sdelay $0x3  }
0x37: {  	[smem:$0x3F91] =	sst s10  }
0x38: {  	s10 =	sld [smem:$0x3F92]  }
0x39: {  	_ = 	snop;
	(pc) =	sbr.ind lr, $3  }
0x3a: {  	_ = 	snop  }
0x3b: {  	_ = 	snop  }
0x3c: {  	p2 =	seq.s32 s10, $0x1;
	s10 =	sld [smem:$0x3F91]  }
0x3d: {  	_ =	shalt  }
0x3e: {  	_ =	shalt  }
0x3f: {  	_ =	shalt  }
0x40: {  	_ =	shalt  }
0x41: {  	_ =	shalt  }
0x42: {  	_ =	shalt  }
0x43: {  	_ =	shalt  }
0x44: {  	_ =	shalt  }
0x45: {  	_ =	shalt  }
0x46: {  	_ =	shalt  }
0x47: {  	_ =	shalt  }
0x48: {  	_ =	shalt  }
0x49: {  	_ =	shalt  }
0x4a: {  	_ =	shalt  }
0x4b: {  	_ =	shalt  }
0x4c: {  	_ =	shalt  }
0x4d: {  	_ =	shalt  }
0x4e: {  	_ =	shalt  }
0x4f: {  	_ =	shalt  }
0x50: {  	_ =	shalt  }
0x51: {  	_ =	shalt  }
0x52: {  	_ =	shalt  }
0x53: {  	_ =	shalt  }
0x54: {  	_ =	shalt  }
0x55: {  	_ =	shalt  }
0x56: {  	_ =	shalt  }
0x57: {  	_ =	shalt  }
0x58: {  	_ =	shalt  }
0x59: {  	_ =	shalt  }
0x5a: {  	_ =	shalt  }
0x5b: {  	_ =	shalt  }
0x5c: {  	_ =	shalt  }
0x5d: {  	_ =	shalt  }
0x5e: {  	_ =	shalt  }
0x5f: {  	_ =	shalt  }
0x60: {  	_ =	shalt  }
0x61: {  	_ =	shalt  }
0x62: {  	_ =	shalt  }
0x63: {  	_ =	shalt  }
0x64: {  	_ =	shalt  }
0x65: {  	_ =	shalt  }
0x66: {  	_ =	shalt  }
0x67: {  	_ =	shalt  }
0x68: {  	_ =	shalt  }
0x69: {  	_ =	shalt  }
0x6a: {  	_ =	shalt  }
0x6b: {  	_ =	shalt  }
0x6c: {  	_ =	shalt  }
0x6d: {  	_ =	shalt  }
0x6e: {  	_ =	shalt  }
0x6f: {  	_ =	shalt  }
0x70: {  	_ =	shalt  }
0x71: {  	_ =	shalt  }
0x72: {  	_ =	shalt  }
0x73: {  	_ =	shalt  }
0x74: {  	_ =	shalt  }
0x75: {  	_ =	shalt  }
0x76: {  	_ =	shalt  }
0x77: {  	_ =	shalt  }
0x78: {  	_ =	shalt  }
0x79: {  	_ =	shalt  }
0x7a: {  	_ =	shalt  }
0x7b: {  	_ =	shalt  }
0x7c: {  	_ =	shalt  }
0x7d: {  	_ =	shalt  }
0x7e: {  	_ =	shalt  }
0x7f: {  	_ =	shalt  }
0x80: {  	_ =	shalt  }
0x81: {  	_ =	shalt  }
0x82: {  	_ =	shalt  }
0x83: {  	_ =	shalt  }
0x84: {  	_ =	shalt  }
0x85: {  	_ =	shalt  }
0x86: {  	_ =	shalt  }
0x87: {  	_ =	shalt  }
.Lfunc_end0:
.L_simem_size_0:
called_computation.2_lowered:
.L_overlay_start_0:
0x88: {  	s2 =	sld [smem:$0x3FD9]  }
0x89: {  	s3 =	sld [smem:$0x3FFE];
	_ =	sdelay $0x1  }
0x8a: {  	s1 =	srdreg.scid  }
0x8b: {  	s0 =	sand.u32 $0x1, s1  }
0x8c: {  	s17 =	sshll.u32 s0, $0xA;
	s2 =	sadd.s32 s3, s2  }
0x8d: {  	s2 =	sadd.s32 s2, s17  }
0x8e: {  	[smem:$0x3F9D] =	sst s2  }
0x8f: {  	_ = 	snop  }
0x90: {  	(tm) =	ssettm $0x1  }
0x91: {  	s18 =	sld [smem:$0x3FFB];
	_ =	sdelay $0x3  }
0x92: {  	_ =	strace s18  }
0x93: {  	s2 =	sld [smem:$0x3FFC];
	_ =	sdelay $0x3  }
0x94: {  	_ =	strace s2  }
0x95: {  	s2 =	sld [smem:$0x3FFD];
	_ =	sdelay $0x3  }
0x96: {  	_ =	strace s2  }
0x97: {  	_ =	strace $0x8FFFFFFF  }
0x98: {  	s19 =	sld [smem:$0x3FDB];
	_ =	sdelay $0x1  }
0x99: {  	s20 =	simm.s32 $_scs_section_size  }
0x9a: {  	s4 =	simm.s32 $_size__tile_overlayer_lowered;
	s5 =	simm.s32 $_tile_overlayer_lowered  }
0x9b: {  	s6 =	simm.s32 $0x1BFF;
	s21 =	sshll.u32 s5, $0x1;
	s3 =	sadd.s32 s20, s19  }
0x9c: {  	s22 =	simm.s32 $0x0;
	s4 =	sshll.u32 s4, $0x1;
	s5 =	sadd.s32 s21, s3  }
0x9d: {  	[timem:s22], [sflag:s6] =	dma.local [hbm:s5], s4  }
0x9e: {  	_ =	swait.ge [sflag:s6], s4  }
0x9f: {  	s4 =	ssub.s32 $0x0, s4;
	[sflag:s6] =	ssyncset.done $0x0  }
0xa0: {  	[sflag:s6] =	ssyncadd.s32 s4;
	_ =	sdelay $0x1  }
0xa1: {  	s23 =	simm.s32 $0x1B8B  }
0xa2: {  	_ =	swait.ge [sflag:s23], $0x1  }
0xa3: {  	[sflag:s23] =	ssyncset.done $0x0  }
0xa4: {  	[sflag:s23] =	ssyncadd.s32 $0xFFFFFFFF  }
0xa5: {  	s4 =	sld [smem:$0x0]  }
0xa6: {  	s5 =	sand.u32 $0xFFFFFFFE, s1  }
0xa7: {  	p0 =	sne.s32 s1, s5  }
0xa8: {  	s5 =	sshll.u32 @p0 s5, $0xE  }
0xa9: {  	s5 =	sadd.s32 @p0 $0x11B8D, s5;
	s6 =	sshll.u32 @p0 s4, $0x11  }
0xaa: {  	s5 =	sor.u32 @p0 s6, s5  }
0xab: {  	[sflag:s5] =	ssyncadd.remote.s32 @p0 $0x1;
	_ =	sdelay $0x1  }
0xac: {  	s5 =	simm.s32 @p0 $0x1B8D  }
0xad: {  	_ =	swait.eq @p0 [sflag:s5], $0x1  }
0xae: {  	[sflag:s5] =	ssyncadd.s32 @p0 $0xFFFFFFFF  }
0xaf: {  	s6 =	sshll.u32 @!p0 s1, $0xE  }
0xb0: {  	s6 =	sor.u32 @!p0 $0x4000, s6;
	s5 =	simm.s32 @!p0 $0x1B8D  }
0xb1: {  	s4 =	sshll.u32 @!p0 s4, $0x11;
	s6 =	sadd.s32 @!p0 $0x11B8D, s6;
	_ =	swait.eq @!p0 [sflag:s5], $0x1  }
0xb2: {  	s4 =	sor.u32 @!p0 s4, s6;
	[sflag:s5] =	ssyncadd.s32 @!p0 $0xFFFFFFFF  }
0xb3: {  	s25 =	simm.s32 $0x1B8E;
	s24 =	sld [smem:$0x3FFE];
	[sflag:s4] =	ssyncadd.remote.s32 @!p0 $0x1  }
0xb4: {  	s26 =	simm.s32 $execute0_lowered;
	[smem:$0x3FD2] =	sst s25  }
0xb5: {  	s5 =	sshll.u32 s26, $0x1;
	_ =	strace $0x8000004C;
	[dreg:$0x1] =	wrdreg $0xFFFFFFFF  }
0xb6: {  	s28 =	simm.s32 $_size_execute0_lowered;
	s3 =	sadd.s32 s3, s5;
	[dreg:$0x0] =	wrdreg $0x0  }
0xb7: {  	s5 =	sshll.u32 s28, $0x1;
	[dreg:$0x2] =	wrdreg s3  }
0xb8: {  	[dreg:$0x3] =	wrdreg s5  }
0xb9: {  	[dreg:$0x4] =	wrdreg $0xC0  }
0xba: {  	_ =	task [dreg:s22], $0x5FFFF  }
0xbb: {  	[dreg:$0x1] =	wrdreg $0xFFFFFFFF  }
0xbc: {  	[dreg:$0x0] =	wrdreg $0x60  }
0xbd: {  	[dreg:$0x2] =	wrdreg s24  }
0xbe: {  	[dreg:$0x3] =	wrdreg $0x40800  }
0xbf: {  	[dreg:$0x4] =	wrdreg $0xA  }
0xc0: {  	_ =	task.clear_ibuf [dreg:s22], $0x5FFFF;
	_ =	strace $0x9000004C  }
0xc1: {  	s29 =	simm.s32 $0xA;
	_ =	strace $0x8000004E  }
0xc2: {  	_ =	swait.ge [sflag:s29], $0x1  }
0xc3: {  	[sflag:s29] =	ssyncadd.s32 $0xFFFFFFFF  }
0xc4: {  	_ =	strace $0x9000004E  }
0xc5: {  	_ =	sfence  }
0xc6: {  	s30 =	sld [smem:$0x0];
	_ =	sdelay $0x2  }
0xc7: {  	s31 =	sshll.u32 s1, $0xD;
	s1 =	sshrl.u32 s1, $0x2  }
0xc8: {  	s4 =	sand.u32 $0x4000, s31;
	s1 =	sadd.s32 s1, s30  }
0xc9: {  	s0 =	sor.u32 s4, s0;
	s1 =	sshll.u32 s1, $0x11  }
0xca: {  	s0 =	sor.u32 s1, s0  }
0xcb: {  	s0 =	sadd.s32 $0x8F2B, s0  }
0xcc: {  	[sflag:s0] =	ssyncadd.remote.s32 $0x1  }
0xcd: {  	_ =	sfence.sel $0xFFFF  }
0xce: {  	[dreg:$0x0] =	wrdreg $0xFFFFFFFF;
	(pc) =	sbr.abs _section_cstart, $3  }
0xcf: {  	[dreg:$0x1] =	wrdreg $0xFFFFFFFF  }
0xd0: {  	_ =	task.clear_ibuf [dreg:s22], $0x2FFFF;
	_ =	strace $0x9FFFFFFF  }
0xd1: {  	(tm) =	ssettm $0x7FFFFFFF  }
tec
execute0_lowered:
.L_overlay_start_1:
0x0: {  	(tag) =	ssettag $0x1  }
0x1: {  	s0 =	srdreg.scid  }
0x2: {  	s6 =	sand.u32 $0x1, s0  }
0x3: {  	s0 =	stileid.u32;
	s3 =	smul.u32 $0x1388000, s6  }
0x4: {  	s4 =	smul.u32 $0x138000, s0  }
0x5: {  	s5 =	rddreg [dreg:$0x0];
	s9 =	smul.u32 $0x4E0, s0  }
0x6: {  	s2 =	rddreg [dreg:$0x1];
	s25 =	smul.u32 $0x2780, s0  }
0x7: {  	s1 =	rddreg [dreg:$0x2];
	s14 =	simm.s32 $0x0;
	s10 =	smul.u32 $0x27800, s6  }
0x8: {  	s7 =	smin.u32 s0, $0x2;
	s6 =	ssub.s32 $0x2, s6;
	s28 =	smul.u32 $0x4F000, s0  }
0x9: {  	p0 =	slt.u32 s0, $0x2;
	s30 =	sshll.u32 s0, $0x6;
	s8 =	sshll.u32 s7, $0xE  }
0xa: {  	s26 =	sshrl.u32 s6, $0x1;
	s31 =	sshll.u32 s7, $0x4;
	s4 =	sadd.s32 s4, s3  }
0xb: {  	s3 =	simm.s32 $0x0;
	s9 =	sadd.s32 s9, s5;
	s12 =	ssub.s32 s6, s26  }
0xc: {  	s29 =	sshrl.u32 s28, $0x2;
	s6 =	sor.u32 $0x1C01, s30;
	s4 =	sadd.s32 s8, s4  }
0xd: {  	[smem:$0x7FF] =	sst s3;
	s8 =	sadd.s32 s25, s10;
	s13 =	sadd.s32 s29, s2  }
0xe: {  	s10 =	sadd.s32 s31, s9;
	s4 =	sshrl.u32 s4, $0x3;
	_ =	strace $0x8000004D  }
0xf: {  	s8 =	sadd.s32 s8, s5;
	s10 =	sadd.s32 $0x84BC00, s10;
	s11 =	sadd.s32 s4, s5  }
0x10: {  	s4 =	sadd.s32 $0xA1000, s5;
	s5 =	simm.s32 $0x4F;
	s7 =	sadd.s32 $0xD1A00, s8  }
0x11: {  	s8 =	smax.u32 s12, $0x1;
	s12 =	simm.s32 $0x1;
	s5 =	simm.s32 @!p0 $0x4E  }
0x12: {  	s9 =	sadd.s32 $0x85AC00, s11;
	s11 =	sshrl.u32 s13, $0x3;
	s13 =	simm.s32 $0x80  }
.LBB2_1:
0x13: {  	[spmem:s11], [sflag:s6] =	dma.local [hbm:s4], $0x2780  }
0x14: {  	_ =	swait.ge [sflag:s12], $0x2780  }
0x15: {  	[sflag:s12] =	ssyncset.done $0x0  }
0x16: {  	[sflag:s12] =	ssyncadd.s32 $0xFFFFD880  }
0x17: {  	[bflag:$0x0] =	sbarrier.arrive $0xFFFF  }
0x18: {  	[tilespmem:s3], [sflag:$0x1] =	stream.linear.gather [hbm4b:s10+s3], $0x80, $0x38;
	[tilespmem:$0x17C80] =	vst v63  }
0x19: {  	_ =	swait.ge [sflag:s12], $0x80  }
0x1a: {  	[sflag:s12] =	ssyncset.done $0x0  }
0x1b: {  	[sflag:s12] =	ssyncadd.s32 $0xFFFFFF80  }
0x1c: {  	[tilespmem:s13], [sflag:$0x1] =	stream.linear.gather [hbm4b:s9+s3], $0x4000, $0x38;
	[tilespmem:$0x17C80] =	vst v63  }
0x1d: {  	p0 =	sne.s32 s5, $0x1;
	_ =	swait.ge [sflag:s12], $0x4000  }
.Ltmp0:
0x1e: {  	[sflag:s12] =	ssyncset.done $0x0;
	(pc) =	sbr.rel @!p0 .LBB2_3-.Ltmp0, $4  }
0x1f: {  	[sflag:s12] =	ssyncadd.s32 $0xFFFFC000  }
0x20: {  	[spmem:s2] =	stream.indirect.scatter.add.f32 [tilespmem:s13], [sflag:$0x1], $0x80, s3, s13, $0xb8;
	[tilespmem:$0x17C80] =	vst v63  }
0x21: {  	s15 =	sadd.s32 $0xFFFFFFFF, s5;
	_ =	swait.ge [sflag:s12], $0x4000  }
0x22: {  	s16 =	smov.u32 s9;
	s17 =	smov.u32 s10;
	[sflag:s12] =	ssyncset.done $0x0  }
.LBB2_2:
0x23: {  	[sflag:s12] =	ssyncadd.s32 $0xFFFFC000;
	s16 =	sadd.s32 $0x800, s16;
	s17 =	sadd.s32 $0x10, s17  }
0x24: {  	[tilespmem:s3], [sflag:$0x1] =	stream.linear.gather [hbm4b:s17+s3], $0x80, $0x38;
	[tilespmem:$0x17C80] =	vst v63  }
0x25: {  	p0 =	sne.s32 s15, $0x1;
	s15 =	sadd.s32 $0xFFFFFFFF, s15;
	_ =	swait.ge [sflag:s12], $0x80  }
0x26: {  	[sflag:s12] =	ssyncset.done $0x0  }
0x27: {  	[sflag:s12] =	ssyncadd.s32 $0xFFFFFF80  }
0x28: {  	[tilespmem:s13], [sflag:$0x1] =	stream.linear.gather [hbm4b:s16+s3], $0x4000, $0x38;
	[tilespmem:$0x17C80] =	vst v63  }
0x29: {  	_ =	swait.ge [sflag:s12], $0x4000  }
.Ltmp1:
0x2a: {  	[sflag:s12] =	ssyncset.done $0x0;
	(pc) =	sbr.rel @p0 .LBB2_2-.Ltmp1, $4  }
0x2b: {  	[sflag:s12] =	ssyncadd.s32 $0xFFFFC000  }
0x2c: {  	[spmem:s2] =	stream.indirect.scatter.add.f32 [tilespmem:s13], [sflag:$0x1], $0x80, s3, s13, $0xb8;
	[tilespmem:$0x17C80] =	vst v63  }
0x2d: {  	_ =	swait.ge [sflag:s12], $0x4000  }
0x2e: {  	[sflag:s12] =	ssyncset.done $0x0  }
.LBB2_3:
0x2f: {  	s14 =	sadd.s32 $0x1, s14  }
0x30: {  	[sflag:s12] =	ssyncadd.s32 $0xFFFFC000;
	p0 =	sne.s32 s14, s8  }
.Ltmp2:
0x31: {  	[bflag:$0x0] =	sbarrier.arrive $0xFFFF;
	(pc) =	sbr.rel @p0 .LBB2_1-.Ltmp2, $4  }
0x32: {  	[hbm:s7], [sflag:s6] =	dma.local [spmem:s11], $0x2780  }
0x33: {  	_ =	swait.ge [sflag:s12], $0x2780  }
0x34: {  	[sflag:s12] =	ssyncset.done $0x0  }
0x35: {  	[sflag:s12] =	ssyncadd.s32 $0xFFFFD880  }
0x36: {  	_ =	sfence.sel $0x180000  }
0x37: {  	[bflag:$0x0] =	sbarrier.arrive $0xFFFF  }
0x38: {  	p0 =	sne.s32 s0, $0x0;
	_ =	strace $0x9000004D  }
0x39: {  	s0 =	sadd.s32 @!p0 $0x100000, s1;
	[bflag:$0x2] =	sbarrier.arrive $0xFFFF  }
0x3a: {  	[sflag:s0] =	ssyncadd.tile.s32 @!p0 $0x1;
	_ =	shalt  }
.Lfunc_end2:
_tile_overlayer_lowered:
.L_overlay_start_2:
0x3b: {  	(tag) =	ssettag $0x2  }
0x3c: {  	s0 =	rddreg [dreg:$0x0];
	s2 =	stileid.u32  }
0x3d: {  	s1 =	rddreg [dreg:$0x1];
	p0 =	sne.s32 s2, $0x0  }
0x3e: {  	s3 =	rddreg [dreg:$0x2];
	[bflag:$0x3] =	sbarrier.arrive $0xFFFF;
	s2 =	simm.s32 @!p0 $0x1C01  }
0x3f: {  	[timem:s3], [sflag:s2] =	dma.local @!p0 [hbm:s0], s1  }
0x40: {  	s0 =	simm.s32 @!p0 $0x1  }
0x41: {  	_ =	swait.ge @!p0 [sflag:s0], s1  }
0x42: {  	s1 =	ssub.s32 @!p0 $0x0, s1;
	[sflag:s0] =	ssyncset.done @!p0 $0x0  }
0x43: {  	[sflag:s0] =	ssyncadd.s32 @!p0 s1  }
0x44: {  	[bflag:$0x3] =	sbarrier.arrive $0xFFFF  }
0x45: {  	_ =	shalt  }

// kernel: scatter_offload_async_start
scs
__scs_entry_jumppad:
0x0: {  	(pc) =	sbr.rel $0x88, $3  }
0x1: {  	(tag) =	ssettag $0x0;
	lr =	simm.s32 $0x1  }
0x2: {  	[smem:$0x3F76] =	sst lr;
	_ =	strace $0xD0000000  }
0x3: {  	_ = 	snop  }
0x4: {  	_ = 	snop  }
0x5: {  	_ = 	snop  }
0x6: {  	_ = 	snop  }
0x7: {  	_ = 	snop  }
__scs_overlays_trampoline_lowered:
0x8: {  	[smem:$0x3F85] =	sst s0  }
0x9: {  	[smem:$0x3F86] =	sst s1  }
0xa: {  	[smem:$0x3F87] =	sst s2  }
0xb: {  	[smem:$0x3F88] =	sst s3  }
0xc: {  	[smem:$0x3F89] =	sst s4  }
0xd: {  	[smem:$0x3F8A] =	sst s5  }
0xe: {  	[smem:$0x3F8B] =	sst s6  }
0xf: {  	[smem:$0x3F8C] =	sst s7  }
0x10: {  	[smem:$0x3F8D] =	sst s8  }
0x11: {  	[smem:$0x3F8E] =	sst s9;
	s0 =	simm.s32 @!p0 $0x0  }
0x12: {  	s1 =	sld [smem:$0x3F74];
	s0 =	simm.s32 @p0 $0x1  }
0x13: {  	[smem:$0x3F8F] =	sst s0;
	s0 =	simm.s32 @!p1 $0x0  }
0x14: {  	s2 =	sld [smem:$0x3F73];
	s0 =	simm.s32 @p1 $0x1  }
0x15: {  	[smem:$0x3F90] =	sst s0;
	s0 =	simm.s32 @!p2 $0x0  }
0x16: {  	s3 =	sld [smem:$0x3FDB];
	s0 =	simm.s32 @p2 $0x1  }
0x17: {  	s4 =	simm.s32 $0x1BF5;
	[smem:$0x3F92] =	sst s0  }
0x18: {  	s0 =	sld [smem:$0x3F75];
	_ =	swait.ge [sflag:s4], $0x0  }
0x19: {  	s7 =	sld [smem:$0x3F76]  }
0x1a: {  	s8 =	sadd.s32 $0xFFFFE003, lr  }
0x1b: {  	s9 =	sadd.s32 $0xFFFFFEF7, lr;
	s5 =	simm.s32 $0xFFFFFFFF;
	p2 =	slt.u32 s8, $0xFFFFF086  }
0x1c: {  	p1 =	slt.u32 s9, $0xF7A;
	s5 =	simm.s32 @!p2 $0x0  }
0x1d: {  	s5 =	simm.s32 @p1 $0x1;
	p0 =	seq.s32 s7, s2  }
0x1e: {  	s7 =	smul.u32 @!p0 $0xF7A, s2;
	p2 =	seq.s32 @!p0 s5, $0x0  }
0x1f: {  	s9 =	smul.u32 $0xF7A, s1;
	s8 =	simm.s32 @!p0 $0x1BF5;
	p2 =	por !p2, p0  }
0x20: {  	[sflag:s8] =	ssyncset.s32 @!p0 $0xFFFFF086;
	s6 =	sadd.s32 @!p0 s3, s7;
	s7 =	simm.s32 @!p0 $0x108  }
0x21: {  	s3 =	sadd.s32 s3, s9;
	s6 =	sadd.s32 @!p0 $0x88, s6;
	s7 =	simm.s32 @p2 $0x1082  }
0x22: {  	[simem:s7], [sflag:s8] =	dma.local @!p0 [hbm:s6], $0xF7A  }
0x23: {  	s9 =	sor.u32 $0xD0000000, s2;
	s6 =	simm.s32 $0x108;
	_ =	swait.ge @!p0 [sflag:s8], $0x0  }
0x24: {  	s3 =	sadd.s32 $0x88, s3;
	s6 =	simm.s32 @!p1 $0x1082;
	[sflag:s4] =	ssyncset.s32 $0xFFFFF086  }
0x25: {  	[simem:s6], [sflag:s4] =	dma.local [hbm:s3], $0xF7A  }
0x26: {  	[smem:$0x3F76] =	sst s1;
	(tag) =	ssettag s2;
	_ =	strace s9  }
0x27: {  	s1 =	sld [smem:$0x3F86]  }
0x28: {  	s2 =	sld [smem:$0x3F87]  }
0x29: {  	s4 =	sld [smem:$0x3F89]  }
0x2a: {  	p0 =	seq.s32 s5, $0x0;
	s5 =	sld [smem:$0x3F8A]  }
0x2b: {  	s6 =	sld [smem:$0x3F8B]  }
0x2c: {  	s7 =	sld [smem:$0x3F8C]  }
0x2d: {  	s3 =	simm.s32 $0x108;
	s8 =	sld [smem:$0x3F8D]  }
0x2e: {  	s3 =	simm.s32 @!p0 $0x1082;
	s9 =	sld [smem:$0x3F8E]  }
0x2f: {  	lr =	sadd.s32 s0, s3;
	s0 =	sld [smem:$0x3F85]  }
0x30: {  	s3 =	sld [smem:$0x3F88]  }
0x31: {  	[smem:$0x3F91] =	sst s10  }
0x32: {  	s10 =	sld [smem:$0x3F8F];
	_ =	sdelay $0x3  }
0x33: {  	p0 =	seq.s32 s10, $0x1;
	s10 =	sld [smem:$0x3F91];
	_ =	sdelay $0x3  }
0x34: {  	[smem:$0x3F91] =	sst s10  }
0x35: {  	s10 =	sld [smem:$0x3F90];
	_ =	sdelay $0x3  }
0x36: {  	p1 =	seq.s32 s10, $0x1;
	s10 =	sld [smem:$0x3F91];
	_ =	sdelay $0x3  }
0x37: {  	[smem:$0x3F91] =	sst s10  }
0x38: {  	s10 =	sld [smem:$0x3F92]  }
0x39: {  	_ = 	snop;
	(pc) =	sbr.ind lr, $3  }
0x3a: {  	_ = 	snop  }
0x3b: {  	_ = 	snop  }
0x3c: {  	p2 =	seq.s32 s10, $0x1;
	s10 =	sld [smem:$0x3F91]  }
0x3d: {  	_ =	shalt  }
0x3e: {  	_ =	shalt  }
0x3f: {  	_ =	shalt  }
0x40: {  	_ =	shalt  }
0x41: {  	_ =	shalt  }
0x42: {  	_ =	shalt  }
0x43: {  	_ =	shalt  }
0x44: {  	_ =	shalt  }
0x45: {  	_ =	shalt  }
0x46: {  	_ =	shalt  }
0x47: {  	_ =	shalt  }
0x48: {  	_ =	shalt  }
0x49: {  	_ =	shalt  }
0x4a: {  	_ =	shalt  }
0x4b: {  	_ =	shalt  }
0x4c: {  	_ =	shalt  }
0x4d: {  	_ =	shalt  }
0x4e: {  	_ =	shalt  }
0x4f: {  	_ =	shalt  }
0x50: {  	_ =	shalt  }
0x51: {  	_ =	shalt  }
0x52: {  	_ =	shalt  }
0x53: {  	_ =	shalt  }
0x54: {  	_ =	shalt  }
0x55: {  	_ =	shalt  }
0x56: {  	_ =	shalt  }
0x57: {  	_ =	shalt  }
0x58: {  	_ =	shalt  }
0x59: {  	_ =	shalt  }
0x5a: {  	_ =	shalt  }
0x5b: {  	_ =	shalt  }
0x5c: {  	_ =	shalt  }
0x5d: {  	_ =	shalt  }
0x5e: {  	_ =	shalt  }
0x5f: {  	_ =	shalt  }
0x60: {  	_ =	shalt  }
0x61: {  	_ =	shalt  }
0x62: {  	_ =	shalt  }
0x63: {  	_ =	shalt  }
0x64: {  	_ =	shalt  }
0x65: {  	_ =	shalt  }
0x66: {  	_ =	shalt  }
0x67: {  	_ =	shalt  }
0x68: {  	_ =	shalt  }
0x69: {  	_ =	shalt  }
0x6a: {  	_ =	shalt  }
0x6b: {  	_ =	shalt  }
0x6c: {  	_ =	shalt  }
0x6d: {  	_ =	shalt  }
0x6e: {  	_ =	shalt  }
0x6f: {  	_ =	shalt  }
0x70: {  	_ =	shalt  }
0x71: {  	_ =	shalt  }
0x72: {  	_ =	shalt  }
0x73: {  	_ =	shalt  }
0x74: {  	_ =	shalt  }
0x75: {  	_ =	shalt  }
0x76: {  	_ =	shalt  }
0x77: {  	_ =	shalt  }
0x78: {  	_ =	shalt  }
0x79: {  	_ =	shalt  }
0x7a: {  	_ =	shalt  }
0x7b: {  	_ =	shalt  }
0x7c: {  	_ =	shalt  }
0x7d: {  	_ =	shalt  }
0x7e: {  	_ =	shalt  }
0x7f: {  	_ =	shalt  }
0x80: {  	_ =	shalt  }
0x81: {  	_ =	shalt  }
0x82: {  	_ =	shalt  }
0x83: {  	_ =	shalt  }
0x84: {  	_ =	shalt  }
0x85: {  	_ =	shalt  }
0x86: {  	_ =	shalt  }
0x87: {  	_ =	shalt  }
.Lfunc_end0:
.L_simem_size_0:
called_computation_lowered:
.L_overlay_start_0:
0x88: {  	s0 =	sld [smem:$0x3FD9]  }
0x89: {  	s1 =	sld [smem:$0x3FFE];
	_ =	sdelay $0x3  }
0x8a: {  	s0 =	sadd.s32 s1, s0  }
0x8b: {  	[smem:$0x3F9D] =	sst s0  }
0x8c: {  	_ = 	snop  }
0x8d: {  	(tm) =	ssettm $0x1  }
0x8e: {  	s15 =	sld [smem:$0x3FFB];
	_ =	sdelay $0x3  }
0x8f: {  	_ =	strace s15  }
0x90: {  	s0 =	sld [smem:$0x3FFC];
	_ =	sdelay $0x3  }
0x91: {  	_ =	strace s0  }
0x92: {  	s0 =	sld [smem:$0x3FFD];
	_ =	sdelay $0x3  }
0x93: {  	_ =	strace s0  }
0x94: {  	_ =	strace $0x8FFFFFFF  }
0x95: {  	s16 =	sld [smem:$0x3FDB];
	_ =	sdelay $0x1  }
0x96: {  	s17 =	simm.s32 $_scs_section_size  }
0x97: {  	s2 =	simm.s32 $_size__tile_overlayer_lowered;
	s3 =	simm.s32 $_tile_overlayer_lowered  }
0x98: {  	s20 =	simm.s32 $0x1BFF;
	s19 =	sshll.u32 s3, $0x1;
	s0 =	sadd.s32 s17, s16  }
0x99: {  	s4 =	simm.s32 $0x0;
	s18 =	sshll.u32 s2, $0x1;
	s2 =	sadd.s32 s19, s0  }
0x9a: {  	[timem:s4], [sflag:s20] =	dma.local [hbm:s2], s18  }
0x9b: {  	_ =	swait.ge [sflag:s20], s18  }
0x9c: {  	s1 =	ssub.s32 $0x0, s18;
	[sflag:s20] =	ssyncset.done $0x0  }
0x9d: {  	[sflag:s20] =	ssyncadd.s32 s1;
	_ =	sdelay $0x1  }
0x9e: {  	s21 =	simm.s32 $0x1B8B  }
0x9f: {  	_ =	swait.ge [sflag:s21], $0x1  }
0xa0: {  	[sflag:s21] =	ssyncset.done $0x0  }
0xa1: {  	s23 =	simm.s32 $0x1B8E;
	s22 =	sld [smem:$0x3FFE];
	[sflag:s21] =	ssyncadd.s32 $0xFFFFFFFF  }
0xa2: {  	s24 =	simm.s32 $execute0_lowered;
	[smem:$0x3FD2] =	sst s23  }
0xa3: {  	s2 =	sshll.u32 s24, $0x1;
	_ =	strace $0x80000049;
	[dreg:$0x1] =	wrdreg $0xFFFFFFFF  }
0xa4: {  	s25 =	simm.s32 $_size_execute0_lowered;
	s0 =	sadd.s32 s0, s2;
	[dreg:$0x0] =	wrdreg $0x0  }
0xa5: {  	s2 =	sshll.u32 s25, $0x1;
	[dreg:$0x2] =	wrdreg s0  }
0xa6: {  	[dreg:$0x3] =	wrdreg s2  }
0xa7: {  	[dreg:$0x4] =	wrdreg $0xC0  }
0xa8: {  	_ =	task [dreg:s4], $0x5FFFF  }
0xa9: {  	[dreg:$0x1] =	wrdreg $0xFFFFFFFF  }
0xaa: {  	[dreg:$0x0] =	wrdreg $0x60  }
0xab: {  	[dreg:$0x2] =	wrdreg s22  }
0xac: {  	[dreg:$0x3] =	wrdreg $0x9  }
0xad: {  	_ =	task.clear_ibuf [dreg:s4], $0x4FFFF;
	_ =	strace $0x90000049  }
0xae: {  	s26 =	simm.s32 $0x9;
	_ =	strace $0x8000004B  }
0xaf: {  	_ =	swait.ge [sflag:s26], $0x1  }
0xb0: {  	[sflag:s26] =	ssyncadd.s32 $0xFFFFFFFF  }
0xb1: {  	_ =	strace $0x9000004B  }
0xb2: {  	_ =	sfence  }
0xb3: {  	s28 =	sld [smem:$0x0];
	_ =	sdelay $0x1  }
0xb4: {  	s29 =	srdreg.scid  }
0xb5: {  	s30 =	sshll.u32 s29, $0xD;
	s31 =	sshrl.u32 s29, $0x2  }
0xb6: {  	s1 =	sand.u32 $0x1, s29;
	s2 =	sand.u32 $0x4000, s30;
	s0 =	sadd.s32 s31, s28  }
0xb7: {  	s1 =	sor.u32 s2, s1;
	s0 =	sshll.u32 s0, $0x11  }
0xb8: {  	s0 =	sor.u32 s0, s1  }
0xb9: {  	s0 =	sadd.s32 $0x8F2B, s0  }
0xba: {  	[sflag:s0] =	ssyncadd.remote.s32 $0x1  }
0xbb: {  	_ =	sfence.sel $0xFFFF  }
0xbc: {  	[dreg:$0x0] =	wrdreg $0xFFFFFFFF;
	(pc) =	sbr.abs _section_cstart, $3  }
0xbd: {  	[dreg:$0x1] =	wrdreg $0xFFFFFFFF  }
0xbe: {  	_ =	task.clear_ibuf [dreg:s4], $0x2FFFF;
	_ =	strace $0x9FFFFFFF  }
0xbf: {  	(tm) =	ssettm $0x7FFFFFFF  }
tec
execute0_lowered:
.L_overlay_start_1:
0x0: {  	(tag) =	ssettag $0x1  }
0x1: {  	s0 =	rddreg [dreg:$0x0]  }
0x2: {  	s14 =	stileid.u32;
	_ =	strace $0x8000004A;
	s2 =	simm.s32 $0x1  }
0x3: {  	v1 =	vimm.s32 $0xFFFFFFFF;
	s1 =	smin.u32 s14, $0x4;
	[sflag:s2] =	ssyncpa.u1 $0x0  }
0x4: {  	s1 =	sadd.s32 s14, s1;
	[tilespmem:$0x10] =	vst v1  }
0x5: {  	v0 =	vimm.f32 $0.0e+00;
	p0 =	slt.u32 s14, $0x4;
	[tilespmem:$0x20] =	vst v1;
	s3 =	smul.u32 $0x1F40, s1;
	s1 =	simm.s32 $0x3E80  }
0x6: {  	[tilespmem:$0x30] =	vst v0;
	s1 =	simm.s32 @!p0 $0x1F40  }
0x7: {  	[tilespmem:$0x40] =	vst v0;
	s1 =	sadd.s32 s1, s3  }
0x8: {  	[tilespmem:$0x50] =	vst v0;
	s4 =	smin.u32 s1, $0x27100  }
0x9: {  	[tilespmem:$0x60] =	vst v1;
	s9 =	ssub.s32 s4, s3  }
0xa: {  	s7 =	simm.s32 $0x2;
	s8 =	simm.s32 $0x8;
	[tilespmem:$0x70] =	vst v1;
	p0 =	sgt.s32 s9, $0x0  }
0xb: {  	s31 =	simm.s32 $0x9;
	s16 =	simm.s32 $0x0;
	[tilespmem:$0x80] =	vst v1;
	s9 =	simm.s32 @!p0 $0x0  }
0xc: {  	s17 =	simm.s32 $0xF0;
	s18 =	simm.s32 $0xFFFFFFFF;
	v1 =	vimm.s32 $0x0;
	[tilespmem:$0xB0] =	vst v0;
	s5 =	smulhi.u32 $0x10624DD3, s9  }
0xd: {  	s19 =	simm.s32 $0xFFFFC280;
	s20 =	simm.s32 $0xFFFFFFFE;
	s21 =	simm.s32 $0xF;
	[tilespmem:$0x90] =	vst v1  }
0xe: {  	[tilespmem:$0xA0] =	vst v1;
	[sflag:s7] =	ssyncpa.u1 $0x0;
	s7 =	simm.s32 $0x7;
	s10 =	sshrl.u32 s5, $0x9  }
0xf: {  	s25 =	simm.s32 $0x0;
	[sflag:s7] =	ssyncpa.u1 $0x0;
	s11 =	smul.u32 $0x1F40, s10  }
0x10: {  	s24 =	simm.s32 $0x0;
	s6 =	sadd.s32 $0x855C00, s0;
	[sflag:s8] =	ssyncpa.u1 $0x0  }
.Ltmp0:
0x11: {  	s23 =	smov.u32 s3;
	p0 =	sne.s32 s9, s11;
	(pc) =	sbr.rel .LBB2_1-.Ltmp0, $4  }
0x12: {  	s1 =	sadd.s32 $0xA0A00, s0;
	[sflag:s31] =	ssyncpa.u1 $0x0;
	s2 =	simm.s32 @!p0 $0x0  }
0x13: {  	s5 =	sadd.s32 $0x850C00, s0;
	p0 =	por $0x0, $0x0;
	s9 =	sadd.s32 s2, s10  }
0x14: {  	vm0 =	vmmov $0xffff;
	v2 =	vlaneseq.u32;
	s10 =	sshll.u32 s14, $0x1;
	s14 =	sshllo.u32 s14, $0x1;
	s11 =	sadd.s32 $0x1, s9  }
0x15: {  	vm1 =	vmxor vm1, vm1;
	vm2 =	vmmov $0x1;
	vm3 =	vcmask $0x3F3C;
	s12 =	sadd.s32 $0x2, s9;
	s13 =	sor.u32 $0x81, s10;
	s15 =	sor.u32 $0x80, s10  }
.LBB2_9:
0x16: {  	p1 =	slt.u32 s24, $0x3  }
0x17: {  	s0 =	simm.s32 @!p1 $0x2  }
0x18: {  	_ =	swait.ge @!p1 [sflag:s0], $0x1F40  }
0x19: {  	[sflag:s0] =	ssyncset.done @!p1 $0x0  }
0x1a: {  	[sflag:s0] =	ssyncadd.s32 @!p1 $0xFFFFE0C0;
	s0 =	simm.s32 @!p1 $0x9  }
0x1b: {  	_ =	swait.ge @!p1 [sflag:s0], $0x10  }
0x1c: {  	[sflag:s0] =	ssyncset.done @!p1 $0x0  }
0x1d: {  	[sflag:s0] =	ssyncadd.s32 @!p1 $0xFFFFFFF0;
	p1 =	sne.s32 s24, s12  }
.Ltmp1:
0x1e: {  	s2 =	sadd.s32 $0x1F40, s23;
	(pc) =	sbr.rel @!p1 .LBB2_10-.Ltmp1, $4  }
0x1f: {  	s22 =	smov.u32 s3;
	s31 =	sadd.s32 $0x1, s24;
	s17 =	sadd.s32 $0x1F40, s17  }
0x20: {  	s18 =	sadd.s32 $0x1, s18;
	s25 =	smov.u32 s23;
	p2 =	slt.s32 s2, s4  }
0x21: {  	p0 =	por !p0, !p0;
	s19 =	sadd.s32 $0x1F40, s19;
	s22 =	smov.u32 @p2 s2  }
0x22: {  	s20 =	sadd.s32 $0x1, s20;
	s23 =	smov.u32 s22;
	s24 =	smov.u32 s31  }
.LBB2_1:
0x23: {  	p1 =	sge.u32 s24, s9  }
0x24: {  	s0 =	smulhi.u32 @!p1 $0xAAAAAAAB, s24;
	_ =	sdelay $0x1  }
0x25: {  	s0 =	sshrl.u32 @!p1 s0, $0x1  }
0x26: {  	s0 =	smul.u32 @!p1 $0x3, s0;
	_ =	sdelay $0x1  }
0x27: {  	s0 =	ssub.s32 @!p1 s24, s0  }
0x28: {  	s0 =	smul.u32 @!p1 $0x7D00, s0;
	_ =	sdelay $0x1  }
0x29: {  	s2 =	sshrl.u32 @!p1 s23, $0x3;
	s0 =	sshrl.u32 @!p1 s0, $0x2  }
0x2a: {  	s22 =	sand.u32 @!p1 $0x7, s23;
	s2 =	sadd.s32 @!p1 s5, s2;
	s0 =	sadd.s32 @!p1 $0x100, s0  }
0x2b: {  	[tilespmem:s0], [sflag:$0x7] =	stream.linear.gather @!p1 [hbm4b:s2+s22], $0x1F40, $0x38;
	[tilespmem:$0x11A60] =	vst v63  }
0x2c: {  	s0 =	sadd.s32 $0xFFFFFFFF, s24  }
0x2d: {  	p1 =	sge.u32 s0, s9  }
.Ltmp2:
0x2e: {  	_ = 	snop;
	(pc) =	sbr.rel @p1 .LBB2_5-.Ltmp2, $1  }
0x2f: {  	_ =	sdelay $0x3  }
0x30: {  	s2 =	smulhi.u32 $0xAAAAAAAB, s0;
	_ =	sdelay $0x1  }
0x31: {  	s2 =	sshrl.u32 s2, $0x1  }
0x32: {  	s2 =	smul.u32 $0x3, s2;
	_ =	sdelay $0x1  }
0x33: {  	s2 =	ssub.s32 s0, s2  }
0x34: {  	s2 =	smul.u32 $0x7D00, s2  }
0x35: {  	_ =	swait.ge [sflag:s7], $0x1F40  }
0x36: {  	[sflag:s7] =	ssyncset.done $0x0;
	s2 =	sshrl.u32 s2, $0x2  }
0x37: {  	[sflag:s7] =	ssyncadd.s32 $0xFFFFE0C0;
	(ifvalue) =	ssetifvalue $0xFFFFFFFF;
	v3 =	vld.msk [tilespmem:s2+$0x100 ss:$0x1], $0xffff;
	_ =	sdelay $0x2  }
0x38: {  	s30 =	smulhi.u32 $0xAAAAAAAB, s18;
	p1 =	sne.s32 s24, $0x1  }
0x39: {  	v4 =	vimm.s32 @!p1 $0x0  }
0x3a: {  	s2 =	sshrl.u32 s30, $0x1;
	v4 =	vperm.xlane @!p1 v3, v4  }
0x3b: {  	s22 =	sshll.u32 s24, $0x4;
	s2 =	smul.u32 $0xFFFE8900, s2;
	vm4 =	vlt.u32 v3, $0x2800  }
0x3c: {  	s22 =	sand.u32 $0x10, s22;
	v3 =	vnsel vm4, $0xFFFFFFFE, v3;
	vm4 =	vlt.u32 @!p1 v4, $0x2800  }
0x3d: {  	s2 =	sshra.s32 s2, $0x2;
	[tilespmem:s22+$0x60] =	vst v3;
	v3 =	vnsel @!p1 vm4, $0xFFFFFFFE, v4  }
0x3e: {  	s28 =	sadd.s32 s2, s17;
	[tilespmem:$0x80] =	vst @!p1 v3  }
0x3f: {  	v3 =	vld.msk [tilespmem:s28+$0x0 ss:$0x1], $0xffff;
	_ =	sdelay $0x4  }
0x40: {  	(xrf1) =	vunique.msk.u32 $0xffff, v3;
	_ =	sdelay $0xd  }
0x41: {  	v4 =	vimm.s32 $0xFFFFFFFF;
	v5, _, _ =	vpop (xrf1)  }
0x42: {  	vm5 =	vne.s32 v3, v4;
	vm4 =	veq.s32 v5, v2  }
0x43: {  	vm6 =	vlt.u32 v3, $0x2800;
	vm4 =	vmand vm5, vm4  }
0x44: {  	vm4 =	vmand vm6, vm4  }
0x45: {  	v4 =	vnsel vm4, $0xFFFFFFFF, v3  }
0x46: {  	s31 =	sand.u32 $0x1, s0  }
0x47: {  	s0 =	simm.s32 $0x1F40;
	p1 =	seq.s32 s31, $0x1  }
0x48: {  	s0 =	simm.s32 @!p1 $0x0  }
0x49: {  	s26 =	sadd.s32 $0x7DF0, s0;
	(ifvalue) =	ssetifvalue $0xFFFFFFFF  }
0x4a: {  	v3 =	vperm.xlane v3, v1;
	[tilespmem:s26], [sflag:$0x8] =	stream.indirect_vreg.gather [hbm4b:s1+s16], $0x1, v4, vm0, $0x4038;
	v4 =	vnsel vm6, $0xFFFFFFFE, v4;
	[tilespmem:$0x11A60] =	vst v63  }
0x4b: {  	s2 =	simm.s32 $0x0;
	s22 =	sadd.s32 $0xFFFFFFF0, s28;
	[tilespmem:s28+$0x0] =	vst v4  }
.LBB2_3:
0x4c: {  	v4 =	vld.msk [tilespmem:s22+$0x0 ss:$0x1], $0xffff;
	s2 =	sadd.s32 $0x10, s2;
	v5 =	vmov v3;
	s28 =	smov.u32 s22  }
0x4d: {  	p1 =	slt.u32 s2, $0x1F30;
	_ =	sdelay $0x4  }
0x4e: {  	v3 =	vperm.xlane v4, v1;
	(xrf1) =	vunique.msk.u32 $0xffff, v4;
	_ =	sdelay $0xd  }
0x4f: {  	v6, _, _ =	vpop (xrf1)  }
0x50: {  	vm5 =	vne.s32 v4, v5;
	vm4 =	veq.s32 v6, v2  }
0x51: {  	vm6 =	vlt.u32 v4, $0x2800;
	vm4 =	vmand vm5, vm4  }
0x52: {  	vm4 =	vmand vm6, vm4  }
0x53: {  	v4 =	vnsel vm4, $0xFFFFFFFF, v4  }
.Ltmp3:
0x54: {  	v5 =	vnsel vm6, $0xFFFFFFFE, v4;
	(pc) =	sbr.rel @p1 .LBB2_3-.Ltmp3, $3  }
0x55: {  	_ =	sdelay $0x1  }
0x56: {  	s22 =	sadd.s32 $0xFFFFFFF0, s22;
	s26 =	sadd.s32 $0xFFFFFFF0, s26;
	(ifvalue) =	ssetifvalue $0xFFFFFFFF  }
0x57: {  	[tilespmem:s26], [sflag:$0x8] =	stream.indirect_vreg.gather [hbm4b:s1+s16], $0x1, v4, vm0, $0x4038;
	[tilespmem:s28+$0x0] =	vst v5  }
0x58: {  	s2 =	sshrl.u32 s25, $0x3  }
0x59: {  	s0 =	sadd.s32 $0x9D40, s0;
	s2 =	sadd.s32 s6, s2  }
0x5a: {  	[tilespmem:s0], [sflag:$0x8] =	stream.linear.gather [hbm:s2], $0x1F40, $0x38;
	[tilespmem:$0x11A60] =	vst v63  }
.LBB2_5:
0x5b: {  	p1 =	slt.u32 s24, $0x2  }
0x5c: {  	p2 =	sge.u32 @!p1 s24, s12  }
0x5d: {  	p1 =	por p1, p2  }
.Ltmp4:
0x5e: {  	_ = 	snop;
	(pc) =	sbr.rel @p1 .LBB2_9-.Ltmp4, $1  }
0x5f: {  	_ =	sdelay $0x3  }
0x60: {  	s0 =	sadd.s32 $0xFFFFFFFE, s24  }
0x61: {  	s2 =	smulhi.u32 $0xAAAAAAAB, s0;
	_ =	sdelay $0x1  }
0x62: {  	s2 =	sshrl.u32 s2, $0x1  }
0x63: {  	s2 =	smul.u32 $0x3, s2;
	_ =	sdelay $0x1  }
0x64: {  	s0 =	ssub.s32 s0, s2  }
0x65: {  	_ =	swait.ge [sflag:s8], $0x3E80;
	s0 =	smul.u32 $0x1F40, s0  }
0x66: {  	p1 =	sne.s32 s24, s11;
	[sflag:s8] =	ssyncset.done $0x0  }
0x67: {  	[sflag:s8] =	ssyncadd.s32 $0xFFFFC180;
	s2 =	sadd.s32 @!p1 $0x203F, s0  }
0x68: {  	[spmem:s13] =	stream.linear.scatter @!p1 [tilespmem:s2], [sflag:$0x1], $0x1, $0x38;
	[tilespmem:$0x11A60] =	vst v63  }
0x69: {  	s2 =	simm.s32 @!p1 $0x1  }
0x6a: {  	_ =	swait.ge @!p1 [sflag:s2], $0x1  }
0x6b: {  	s22 =	sshll.u32 s24, $0x4;
	[sflag:s2] =	ssyncset.done @!p1 $0x0  }
0x6c: {  	s25 =	sand.u32 $0x10, s22;
	[sflag:s2] =	ssyncadd.s32 @!p1 $0xFFFFFFFF  }
0x6d: {  	s2 =	sxor.u32 $0x10, s25;
	v4 =	vld [tilespmem:s25+$0x10]  }
0x6e: {  	v5 =	vld [tilespmem:s2+$0x60]  }
0x6f: {  	v3 =	vld [tilespmem:$0x80];
	_ =	sdelay $0x2  }
0x70: {  	(v2sf) =	vpush v4, $0x0  }
0x71: {  	(v2sf) =	vpush v5, $0x0  }
0x72: {  	(v2sf) =	vpush v3, $0x0;
	_ =	sdelay $0xc  }
0x73: {  	s22 =	spop (v2sf)  }
0x74: {  	s26 =	spop (v2sf)  }
0x75: {  	s28 =	spop (v2sf)  }
0x76: {  	p2 =	seq.s32 s22, s26;
	p3 =	seq.s32 s28, s22  }
0x77: {  	p3 =	por p2, p3  }
0x78: {  	s26 =	sand.u32 $0x1, s24;
	v4 =	vpsel p3, $0xFFFFFFFF, v4  }
0x79: {  	s29 =	smul.u32 $0x1F40, s26;
	[tilespmem:s25+$0x10] =	vst.msk $0x1, v4  }
0x7a: {  	v4 =	vld [tilespmem:$0x30]  }
0x7b: {  	v5 =	vld [tilespmem:s29+$0x9D40]  }
0x7c: {  	v6 =	vld [tilespmem:s25+$0x40];
	_ =	sdelay $0x3  }
0x7d: {  	vm4 =	vmmov vm1;
	v5 =	vadd.f32 v5, v4  }
0x7e: {  	vm5 =	vmmov vm2;
	vm4 =	vmmov @p2 vm2;
	s22 =	sshll.u32 s26, $0x4;
	v4 =	vadd.f32 v6, v4  }
0x7f: {  	s26 =	sor.u32 $0x11A40, s22;
	vm5 =	vmmov @p3 vm1;
	[tilespmem:s29+$0x9D40] =	vst.msk vm4, v5  }
0x80: {  	[tilespmem:s26+$0x0] =	vst.msk vm5, v4  }
0x81: {  	v4 =	vld [tilespmem:s29+$0x7DF0];
	_ =	sdelay $0x3  }
0x82: {  	v5 =	vimm.f32 $0.0e+00  }
0x83: {  	v4 =	vshift.insert v4, v5, s21  }
0x84: {  	s22 =	sor.u32 $0x40, s2  }
0x85: {  	[tilespmem:s22+$0x0] =	vst.msk $0x1, v4  }
0x86: {  	[tilespmem:s29+$0x7DFF] =	vst.msk $0x1, v5  }
0x87: {  	v4 =	vld [tilespmem:s0+$0x2030];
	_ =	sdelay $0x1  }
0x88: {  	s22 =	smulhi.u32 $0xAAAAAAAB, s20;
	s0 =	simm.s32 $0x1  }
0x89: {  	s0 =	simm.s32 @!p0 $0x0  }
0x8a: {  	s22 =	sshrl.u32 s22, $0x1;
	s0 =	smul.u32 $0x7D00, s0  }
0x8b: {  	s22 =	smul.u32 $0xFFFE8900, s22;
	v4 =	vshift.insert v4, v1, s21  }
0x8c: {  	s0 =	sshrl.u32 s0, $0x2  }
0x8d: {  	s22 =	sshra.s32 s22, $0x2;
	s30 =	sadd.s32 $0x9D40, s0;
	[tilespmem:s2+$0x10] =	vst.msk $0x1, v4  }
0x8e: {  	s22 =	sadd.s32 s22, s19;
	v6 =	vld [tilespmem:s30+$0x0]  }
0x8f: {  	v7 =	vld [tilespmem:s22+$0x0];
	_ =	sdelay $0x3  }
0x90: {  	v5 =	vadd.f32 v6, v5  }
0x91: {  	vm4 =	vne.s32 v7, $0xFFFFFFFF  }
0x92: {  	(xrf2) =	vadd.seg.scan.f32 vm4, v5;
	_ =	sdelay $0x3  }
0x93: {  	s31 =	sadd.s32 $0x5EC0, s0;
	v5 =	vperm.xlane v4, v1  }
0x94: {  	v6 =	vld [tilespmem:s31+$0x0]  }
0x95: {  	vm5 =	veq.s32 v7, v3;
	vm6 =	veq.s32 v7, v5  }
0x96: {  	vm7 =	vgt.u32 v7, $0xFFFFFFFD;
	vm6 =	vmor vm6, vm5  }
0x97: {  	vm6 =	vmor vm6, vm7  }
0x98: {  	v9 =	vld [tilespmem:$0xA0];
	v7 =	vsel vm6, $0xFFFFFFFF, v7  }
0x99: {  	v10 =	vld [tilespmem:$0x90];
	v6 =	vsel vm5, $0x0, v6;
	v8, _, _ =	vpop (xrf2)  }
0x9a: {  	v6 =	vadd.f32 v8, v6  }
0x9b: {  	s0 =	sadd.s32 $0xDBC0, s0  }
0x9c: {  	vm4 =	vmand vm4, vm3;
	[tilespmem:s0+$0x0] =	vst v6;
	(ifvalue) =	ssetifvalue $0xFFFFFFFF  }
0x9d: {  	vm6 =	veq.s32 v9, $0x1;
	[hbm4b:s1+s16] =	stream.indirect_vreg.scatter [tilespmem:s0], [sflag:$0x2], $0x1, v7, vm0, $0x4038;
	v7 =	vsel vm4, $0x0, v8;
	[tilespmem:$0x11A60] =	vst v63  }
0x9e: {  	s2 =	simm.s32 $0x0;
	s22 =	sadd.s32 $0x10, s22;
	vm4 =	vmor vm6, vm5;
	v6 =	vsel vm5, v8, v10;
	v7 =	vshift.insert v7, v0, s21  }
.LBB2_7:
0x9f: {  	v8 =	vld [tilespmem:s22+$0x0];
	s30 =	sadd.s32 $0x10, s30  }
0xa0: {  	s31 =	sadd.s32 $0x10, s31;
	v9 =	vld [tilespmem:s30+$0x0]  }
0xa1: {  	s2 =	sadd.s32 $0x10, s2;
	v10 =	vld [tilespmem:s31+$0x0]  }
0xa2: {  	p2 =	slt.u32 s2, $0x1F30;
	_ =	sdelay $0x2  }
0xa3: {  	v7 =	vadd.f32 v9, v7  }
0xa4: {  	vm5 =	vne.s32 v8, $0xFFFFFFFF  }
0xa5: {  	vm6 =	vmand vm5, vm3;
	(xrf2) =	vadd.seg.scan.f32 vm5, v7;
	_ =	sdelay $0x5  }
0xa6: {  	vm7 =	veq.s32 v8, v5;
	vm5 =	veq.s32 v8, v3  }
0xa7: {  	vm8 =	vgt.u32 v8, $0xFFFFFFFD;
	vm4 =	vmor vm4, vm5;
	vm7 =	vmor vm7, vm5  }
0xa8: {  	vm7 =	vmor vm7, vm8  }
0xa9: {  	v8 =	vsel vm7, $0xFFFFFFFF, v8  }
.Ltmp5:
0xaa: {  	v7 =	vsel vm5, $0x0, v10;
	v9, _, _ =	vpop (xrf2);
	(pc) =	sbr.rel @p2 .LBB2_7-.Ltmp5, $4  }
0xab: {  	v6 =	vsel vm5, v9, v6;
	v10 =	vadd.f32 v9, v7;
	v7 =	vsel vm6, $0x0, v9  }
0xac: {  	s0 =	sadd.s32 $0x10, s0;
	v7 =	vshift.insert v7, v0, s21  }
0xad: {  	s22 =	sadd.s32 $0x10, s22;
	[tilespmem:s0+$0x0] =	vst v10;
	(ifvalue) =	ssetifvalue $0xFFFFFFFF  }
0xae: {  	[hbm4b:s1+s16] =	stream.indirect_vreg.scatter [tilespmem:s0], [sflag:$0x2], $0x1, v8, vm0, $0x4038;
	[tilespmem:$0x11A60] =	vst v63  }
0xaf: {  	v3 =	vld [tilespmem:s29+$0xFAF0];
	_ =	sdelay $0x4  }
0xb0: {  	v3 =	vshift.insert v3, v0, s21  }
0xb1: {  	s0 =	simm.s32 $0x30  }
0xb2: {  	[tilespmem:s0+$0x0] =	vst.msk $0x1, v3  }
0xb3: {  	v3 =	vsel vm4, $0x1, v1;
	[tilespmem:$0x90] =	vst v6  }
0xb4: {  	s0 =	sadd.s32 @!p1 $0xFAFF, s29;
	[tilespmem:$0xA0] =	vst v3  }
0xb5: {  	[spmem:s14] =	stream.linear.scatter @!p1 [tilespmem:s0], [sflag:$0x1], $0x1, $0x38;
	[tilespmem:$0x11A60] =	vst v63  }
0xb6: {  	s0 =	simm.s32 @!p1 $0x1  }
0xb7: {  	v3 =	vmctz.xlane @!p1 vm4;
	_ =	swait.ge @!p1 [sflag:s0], $0x1  }
0xb8: {  	(v2sf) =	vpush @!p1 v4, $0x0  }
0xb9: {  	(v2sf) =	vpush @!p1 v3, $0x0;
	_ =	sdelay $0xd  }
0xba: {  	s2 =	spop @!p1 (v2sf)  }
0xbb: {  	s22 =	spop @!p1 (v2sf)  }
0xbc: {  	p2 =	sne.s32 @!p1 s28, s2;
	p3 =	slt.s32 @!p1 s22, $0xF  }
0xbd: {  	[sflag:s0] =	ssyncset.done @!p1 $0x0;
	p2 =	por p2, p1;
	p3 =	por !p3, p1  }
0xbe: {  	[sflag:s0] =	ssyncadd.s32 @!p1 $0xFFFFFFFF;
	v3 =	vimm.s32 @!p2 $0xFFFFFFFF;
	s22 =	simm.s32 @p3 $0xF  }
0xbf: {  	[tilespmem:$0x80] =	vst @!p2 v3;
	s2 =	sadd.s32 @!p1 $0x90, s22  }
0xc0: {  	[spmem:s10] =	stream.linear.scatter @!p1 [tilespmem:s2], [sflag:$0x1], $0x1, $0x38;
	[tilespmem:$0x11A60] =	vst v63  }
0xc1: {  	_ =	swait.ge @!p1 [sflag:s0], $0x1  }
0xc2: {  	[sflag:s0] =	ssyncset.done @!p1 $0x0  }
0xc3: {  	s2 =	simm.s32 @!p1 $0x80;
	[sflag:s0] =	ssyncadd.s32 @!p1 $0xFFFFFFFF  }
0xc4: {  	[spmem:s15] =	stream.linear.scatter @!p1 [tilespmem:s2], [sflag:$0x1], $0x1, $0x38;
	[tilespmem:$0x11A60] =	vst v63  }
0xc5: {  	_ =	swait.ge @!p1 [sflag:s0], $0x1  }
0xc6: {  	[sflag:s0] =	ssyncset.done @!p1 $0x0  }
0xc7: {  	[sflag:s0] =	ssyncadd.s32 @!p1 $0xFFFFFFFF;
	(ifvalue) =	ssetifvalue $0xFFFFFFFF;
	v3 =	vld [tilespmem:s25+$0x10];
	_ =	sdelay $0x3  }
.Ltmp6:
0xc8: {  	_ = 	snop;
	(pc) =	sbr.rel .LBB2_9-.Ltmp6, $3  }
0xc9: {  	_ =	sdelay $0x1  }
0xca: {  	(ifvalue) =	ssetifvalue $0xFFFFFFFF  }
0xcb: {  	[hbm4b:s1+s16] =	stream.indirect_vreg.scatter [tilespmem:s26], [sflag:$0x9], $0x1, v3, vm0, $0x4038;
	[tilespmem:$0x11A60] =	vst v63  }
.LBB2_10:
0xcc: {  	_ =	sfence.sel $0x180000  }
0xcd: {  	s0 =	simm.s32 $0x7;
	[bflag:$0x0] =	sbarrier.arrive $0xFFFF  }
0xce: {  	s26 =	simm.s32 $0x8;
	[sflag:s0] =	ssyncpa.u1 $0x1  }
0xcf: {  	s28 =	simm.s32 $0x9;
	[sflag:s26] =	ssyncpa.u1 $0x1  }
0xd0: {  	[sflag:s28] =	ssyncpa.u1 $0x1  }
0xd1: {  	_ =	sfence.stream.spmem  }
0xd2: {  	s29 =	simm.s32 $0x3;
	[bflag:$0x0] =	sbarrier.arrive $0xFFFF  }
0xd3: {  	s30 =	simm.s32 $0x4;
	[sflag:s29] =	ssyncpa.u1 $0x1  }
0xd4: {  	s31 =	simm.s32 $0x3C;
	s2 =	stileid.u32;
	[sflag:s30] =	ssyncpa.u1 $0x1  }
0xd5: {  	p0 =	sne.s32 s2, $0x0;
	[sflag:s31] =	ssyncpa.u1 $0x1  }
0xd6: {  	s0 =	simm.s32 @p0 $0x1;
	_ =	sfence @p0  }
0xd7: {  	[sflag:s0] =	ssyncpa.u1 @p0 $0x1;
	s0 =	simm.s32 @p0 $0x2  }
0xd8: {  	[sflag:s0] =	ssyncpa.u1 @p0 $0x1  }
0xd9: {  	_ =	strace @p0 $0x9000004A  }
0xda: {  	[bflag:$0x2] =	sbarrier.arrive @p0 $0xFFFF  }
0xdb: {  	_ =	shalt @p0  }
.LBB2_11:
0xdc: {  	_ =	sfence.stream.spmem;
	s0 =	simm.s32 $0x5  }
0xdd: {  	s2 =	simm.s32 $0x80;
	s3 =	simm.s32 $0xC0;
	[sflag:s0] =	ssyncpa.u1 $0x0  }
0xde: {  	[tilespmem:s3], [sflag:$0x5] =	stream.linear.gather [spmem:s2], $0x20, $0x38;
	[tilespmem:$0x11A60] =	vst v63  }
0xdf: {  	s2 =	simm.s32 $0x0;
	s3 =	simm.s32 $0xE0  }
0xe0: {  	[tilespmem:s3], [sflag:$0x5] =	stream.linear.gather [spmem:s2], $0x20, $0x38;
	[tilespmem:$0x11A60] =	vst v63  }
.Ltmp7:
0xe1: {  	_ = 	snop;
	(pc) =	sbr.rel .LBB2_12-.Ltmp7, $4  }
0xe2: {  	_ =	swait.ge [sflag:s0], $0x40  }
0xe3: {  	[sflag:s0] =	ssyncset.done $0x0  }
0xe4: {  	s31 =	simm.s32 $0x6;
	[sflag:s0] =	ssyncadd.s32 $0xFFFFFFC0  }
0xe5: {  	s4 =	simm.s32 $0x0;
	[sflag:s31] =	ssyncpa.u1 $0x0  }
.LBB2_17:
0xe6: {  	p0 =	sgt.u32 s5, $0x27FF  }
0xe7: {  	s0 =	sshrl.u32 @!p0 s5, $0x3  }
0xe8: {  	s5 =	sand.u32 @!p0 $0x7, s5;
	s6 =	simm.s32 @!p0 $0xB0;
	s0 =	sadd.s32 @!p0 s1, s0  }
0xe9: {  	[tilespmem:s6], [sflag:$0x6] =	stream.linear.gather @!p0 [hbm4b:s0+s5], $0x1, $0x38;
	[tilespmem:$0x11A60] =	vst v63  }
0xea: {  	s0 =	simm.s32 @!p0 $0x6  }
0xeb: {  	_ =	swait.ge @!p0 [sflag:s0], $0x1  }
0xec: {  	[sflag:s0] =	ssyncset.done @!p0 $0x0  }
0xed: {  	[sflag:s0] =	ssyncadd.s32 @!p0 $0xFFFFFFFF  }
0xee: {  	v2 =	vmov @!p0 s4;
	v1 =	vld.msk @!p0 [tilespmem:$0xB0], $0x1;
	_ =	sdelay $0x3  }
0xef: {  	s0 =	simm.s32 @!p0 $0xE0  }
0xf0: {  	[tilespmem:v2+s0+$0x0], v1 =	vst.idx.ret.add.f32.msk @!p0 $0x1, v1  }
0xf1: {  	[tilespmem:s2+$0xC0] =	vst.msk $0x1, v0  }
0xf2: {  	v0 =	vld.msk [tilespmem:s4+$0xE0], $0x1;
	_ =	sdelay $0x4  }
0xf3: {  	[tilespmem:s2+$0xE0] =	vst.msk $0x1, v0;
	s2 =	sadd.s32 $0x1, s2  }
.LBB2_19:
0xf4: {  	s4 =	sadd.s32 $0x1, s4  }
0xf5: {  	p0 =	sne.s32 s4, $0x20  }
.Ltmp8:
0xf6: {  	_ = 	snop;
	(pc) =	sbr.rel @!p0 .LBB2_20-.Ltmp8, $1  }
0xf7: {  	_ =	sdelay $0x3  }
.LBB2_12:
0xf8: {  	v0 =	vld.msk [tilespmem:s4+$0xC0], $0x1;
	_ =	sdelay $0x4  }
0xf9: {  	(v2sf) =	vpush v0, $0x0;
	_ =	sdelay $0xe  }
0xfa: {  	s5 =	spop (v2sf)  }
0xfb: {  	p0 =	seq.s32 s5, $0xFFFFFFFF  }
.Ltmp9:
0xfc: {  	_ = 	snop;
	(pc) =	sbr.rel @p0 .LBB2_19-.Ltmp9, $1  }
0xfd: {  	_ =	sdelay $0x3  }
0xfe: {  	p0 =	slt.s32 s2, $0x1  }
.Ltmp10:
0xff: {  	_ = 	snop;
	(pc) =	sbr.rel @p0 .LBB2_17-.Ltmp10, $1  }
0x100: {  	_ =	sdelay $0x3  }
0x101: {  	s0 =	simm.s32 $0xC0;
	p0 =	por $0x0, $0x0  }
0x102: {  	v1 =	vld.msk @!p0 [tilespmem:s0+$0x0], $0x1;
	_ =	sdelay $0x4  }
0x103: {  	(v2sf) =	vpush @!p0 v1, $0x0;
	_ =	sdelay $0xd  }
0x104: {  	p2 =	sne.s32 s2, $0x1  }
.Ltmp11:
0x105: {  	s6 =	spop @!p0 (v2sf);
	(pc) =	sbr.rel @!p2 .LBB2_16-.Ltmp11, $4  }
0x106: {  	p1 =	seq.s32 @!p0 s5, s6  }
0x107: {  	s6 =	simm.s32 $0x0;
	p1 =	por !p1, p0  }
0x108: {  	s8 =	simm.s32 $0xFFFFFFFF;
	s6 =	simm.s32 @p1 $0xFFFFFFFF  }
0x109: {  	s7 =	simm.s32 $0x1;
	s6 =	smov.u32 @p0 s8  }
.LBB2_15:
0x10a: {  	s8 =	smov.u32 s6;
	p0 =	sne.s32 s6, $0xFFFFFFFF  }
0x10b: {  	s0 =	sadd.s32 $0x1, s0;
	s6 =	smov.u32 s7;
	s7 =	sadd.s32 $0x1, s7  }
0x10c: {  	p1 =	sne.s32 s2, s7;
	v1 =	vld.msk @!p0 [tilespmem:s0+$0x0], $0x1;
	_ =	sdelay $0x4  }
0x10d: {  	(v2sf) =	vpush @!p0 v1, $0x0;
	_ =	sdelay $0xe  }
.Ltmp12:
0x10e: {  	s9 =	spop @!p0 (v2sf);
	(pc) =	sbr.rel @p1 .LBB2_15-.Ltmp12, $4  }
0x10f: {  	p2 =	seq.s32 @!p0 s5, s9  }
0x110: {  	p2 =	por !p2, p0  }
0x111: {  	s6 =	simm.s32 @p2 $0xFFFFFFFF  }
0x112: {  	s6 =	smov.u32 @p0 s8  }
.LBB2_16:
0x113: {  	p0 =	sne.s32 s6, $0xFFFFFFFF  }
.Ltmp13:
0x114: {  	_ = 	snop;
	(pc) =	sbr.rel @!p0 .LBB2_17-.Ltmp13, $1  }
0x115: {  	_ =	sdelay $0x3  }
0x116: {  	v0 =	vld.msk [tilespmem:s4+$0xE0], $0x1;
	v1 =	vmov s6  }
.Ltmp14:
0x117: {  	_ = 	snop;
	(pc) =	sbr.rel .LBB2_19-.Ltmp14, $2  }
0x118: {  	_ =	sdelay $0x2  }
0x119: {  	[tilespmem:v1+s3+$0x0], v0 =	vst.idx.ret.add.f32.msk $0x1, v0  }
.LBB2_20:
0x11a: {  	p0 =	slt.s32 s2, $0x1  }
.Ltmp15:
0x11b: {  	_ = 	snop;
	(pc) =	sbr.rel @p0 .LBB2_24-.Ltmp15, $3  }
0x11c: {  	_ =	sdelay $0x1  }
0x11d: {  	s0 =	simm.s32 $0x6  }
0x11e: {  	s3 =	simm.s32 $0x0;
	[sflag:s0] =	ssyncpa.u1 $0x1  }
0x11f: {  	s0 =	simm.s32 $0xC0  }
0x120: {  	v0 =	vld.msk [tilespmem:s0+$0x0], $0x1;
	_ =	sdelay $0x4  }
0x121: {  	(v2sf) =	vpush v0, $0x0;
	_ =	sdelay $0xe  }
0x122: {  	s2 =	sadd.s32 $0xFFFFFFFF, s2;
	s4 =	spop (v2sf)  }
0x123: {  	p1 =	sne.s32 s2, $0x0;
	p0 =	sgt.u32 s4, $0x27FF  }
.Ltmp16:
0x124: {  	s5 =	sshrl.u32 @!p0 s4, $0x3;
	(pc) =	sbr.rel @!p1 .LBB2_23-.Ltmp16, $4  }
0x125: {  	s0 =	simm.s32 $0xE0;
	s4 =	sand.u32 @!p0 $0x7, s4;
	s5 =	sadd.s32 @!p0 s1, s5  }
0x126: {  	[hbm4b:s5+s4] =	stream.linear.scatter @!p0 [tilespmem:s0], [sflag:$0x5], $0x1, $0x38;
	[tilespmem:$0x11A60] =	vst v63  }
0x127: {  	s5 =	simm.s32 $0x0  }
0x128: {  	s4 =	simm.s32 $0xC1;
	s5 =	simm.s32 @!p0 $0x4  }
.LBB2_22:
0x129: {  	v0 =	vld.msk [tilespmem:s4+$0x0], $0x1;
	s2 =	sadd.s32 $0xFFFFFFFF, s2;
	s3 =	sadd.s32 s3, s5  }
0x12a: {  	p0 =	sne.s32 s2, $0x0;
	_ =	sdelay $0x3  }
0x12b: {  	(v2sf) =	vpush v0, $0x0;
	_ =	sdelay $0xe  }
.Ltmp17:
0x12c: {  	s6 =	spop (v2sf);
	(pc) =	sbr.rel @p0 .LBB2_22-.Ltmp17, $4  }
0x12d: {  	s5 =	simm.s32 $0x0;
	p1 =	sgt.u32 s6, $0x27FF  }
0x12e: {  	s0 =	sadd.s32 $0x1, s0;
	s5 =	simm.s32 @!p1 $0x4;
	s7 =	sshrl.u32 @!p1 s6, $0x3  }
0x12f: {  	s4 =	sadd.s32 $0x1, s4;
	s6 =	sand.u32 @!p1 $0x7, s6;
	s7 =	sadd.s32 @!p1 s1, s7  }
0x130: {  	[hbm4b:s7+s6] =	stream.linear.scatter @!p1 [tilespmem:s0], [sflag:$0x5], $0x1, $0x38;
	[tilespmem:$0x11A60] =	vst v63  }
.LBB2_23:
0x131: {  	s0 =	sadd.s32 s3, s5  }
0x132: {  	s3 =	sshrl.u32 s0, $0x2  }
.LBB2_24:
0x133: {  	s0 =	simm.s32 $0x5  }
0x134: {  	_ =	swait.ge [sflag:s0], s3  }
0x135: {  	s1 =	ssub.s32 $0x0, s3;
	[sflag:s0] =	ssyncset.done $0x0  }
0x136: {  	[sflag:s0] =	ssyncadd.s32 s1  }
0x137: {  	[sflag:s0] =	ssyncpa.u1 $0x1  }
0x138: {  	s29 =	simm.s32 $0x1;
	_ =	sfence  }
0x139: {  	s30 =	simm.s32 $0x2;
	[sflag:s29] =	ssyncpa.u1 $0x1  }
0x13a: {  	[sflag:s30] =	ssyncpa.u1 $0x1  }
0x13b: {  	_ =	strace $0x9000004A  }
0x13c: {  	[bflag:$0x2] =	sbarrier.arrive $0xFFFF  }
0x13d: {  	s31 =	rddreg [dreg:$0x1]  }
0x13e: {  	s0 =	sadd.s32 $0x100000, s31  }
0x13f: {  	[sflag:s0] =	ssyncadd.tile.s32 $0x1;
	_ =	shalt  }
.Lfunc_end2:
_tile_overlayer_lowered:
.L_overlay_start_2:
0x140: {  	(tag) =	ssettag $0x2  }
0x141: {  	s0 =	rddreg [dreg:$0x0];
	s2 =	stileid.u32  }
0x142: {  	s1 =	rddreg [dreg:$0x1];
	p0 =	sne.s32 s2, $0x0  }
0x143: {  	s3 =	rddreg [dreg:$0x2];
	[bflag:$0x3] =	sbarrier.arrive $0xFFFF;
	s2 =	simm.s32 @!p0 $0x1C01  }
0x144: {  	[timem:s3], [sflag:s2] =	dma.local @!p0 [hbm:s0], s1  }
0x145: {  	s0 =	simm.s32 @!p0 $0x1  }
0x146: {  	_ =	swait.ge @!p0 [sflag:s0], s1  }
0x147: {  	s1 =	ssub.s32 @!p0 $0x0, s1;
	[sflag:s0] =	ssyncset.done @!p0 $0x0  }
0x148: {  	[sflag:s0] =	ssyncadd.s32 @!p0 s1  }
0x149: {  	[bflag:$0x3] =	sbarrier.arrive $0xFFFF  }
0x14a: {  	_ =	shalt  }

</sc_bundles>
